<compile_context>
chip_gen: v7x
topology: tpu7x:2x2x1
jax: 0.10.2.dev20260603
libtpu: 0.0.44.dev20260713+nightly
codegen_flags: <defaults>
</compile_context>

<pallas_src>
import numpy as np
from itertools import combinations

import jax
import jax.numpy as jnp
from jax import lax
from jax.experimental import pallas as pl
from jax.experimental.pallas import tpu as pltpu
from jax.experimental.pallas import tpu_sc as plsc

_SIZE_IN = 14
_HOTNESS = 3
_BATCH = 4096
_IN_DIM = 2 ** _SIZE_IN
_NSEL = 364
_NBAND = _BATCH // 8
_NT = _IN_DIM // 128
_D = 512

_FILT = np.array([sum(2 ** i for i in c) for c in combinations(range(_SIZE_IN), _HOTNESS)],
                 dtype=np.int32)
_TILES = np.unique(_FILT >> 7)
_NE = len(_TILES)

_SIDX = (_TILES.astype(np.int32) * 2)

_SLOT = {int(t): i for i, t in enumerate(_TILES)}
_SROW = np.array([_SLOT[int(f) >> 7] for f in _FILT], dtype=np.int32)
_SCOL = (_FILT & 127).astype(np.int32)

_NVEC = 23
_SROWP = np.concatenate([_SROW, np.full(4, _SROW[-1], np.int32)])
_SCOLP = np.concatenate([_SCOL, np.full(4, _SCOL[-1], np.int32)])
_WROW = np.stack([_SROWP[16 * v:16 * v + 16] for v in range(_NVEC)])
_WCOL = np.stack([_SCOLP[16 * v:16 * v + 16] for v in range(_NVEC)])

_PACKED = np.concatenate([
    _SIDX.reshape(4, 16),
    _WROW.astype(np.int32),
    _WCOL.astype(np.int32),
]).astype(np.int32)

_NCORES = 2
_NSUB = 16
_NTILES = _NCORES * _NSUB
_NCHUNK = (_BATCH // _NTILES) // 4


def _body(tab_hbm, tbl_hbm, out_hbm, gbuf, idxbuf, tbl_v, obuf, sems):
    wid = lax.axis_index("s") * _NCORES + lax.axis_index("c")
    pltpu.sync_copy(tbl_hbm, tbl_v)

    def fire(c, buf):
        half = wid * _NCHUNK + c
        base = lax.div(half, 2) * 256 + lax.rem(half, 2)
        iv = idxbuf.at[buf]
        for k in range(_NE // 16):
            iv[pl.ds(16 * k, 16)] = tbl_v[k] + base
        pltpu.make_async_copy(tab_hbm.at[iv], gbuf.at[buf],
                              sems.at[buf]).start()

    def drain(buf):
        pltpu.make_async_copy(tab_hbm.at[pl.ds(0, _NE), :], gbuf.at[buf],
                              sems.at[buf]).wait()

    def compact(c, buf):
        gv = gbuf.at[buf]

        def row_body(r, _):
            cbase = r * 128
            for v in range(_NVEC):
                x = plsc.load_gather(gv, [tbl_v[4 + v], tbl_v[27 + v] + cbase])
                obuf[16 * v // 128, r, pl.ds((16 * v) % 128, 16)] = x * 12.0 - 6.0
            return 0

        lax.fori_loop(0, 4, row_body, 0, unroll=False)
        half = wid * _NCHUNK + c
        band = lax.div(half, 2)
        p0 = lax.rem(half, 2) * 4
        pltpu.sync_copy(obuf, out_hbm.at[band, :, pl.ds(p0, 4), :])

    fire(0, 0)

    def chunk_body(c, _):
        buf = lax.rem(c, 2)

        @pl.when(c + 1 < _NCHUNK)
        def _():
            fire(c + 1, 1 - buf)

        drain(buf)
        compact(c, buf)
        return 0

    lax.fori_loop(0, _NCHUNK, chunk_body, 0, unroll=False)


def kernel(input_var):
    tab = (input_var.reshape(_NBAND, 8, _NT, 128)
           .transpose(0, 2, 1, 3)
           .reshape(_NBAND * _NT * 2, _D))
    tbl = jnp.asarray(_PACKED)
    mesh = plsc.VectorSubcoreMesh(core_axis_name="c", subcore_axis_name="s",
                                  num_cores=_NCORES, num_subcores=_NSUB)
    out4 = pl.kernel(
        _body,
        out_type=jax.ShapeDtypeStruct((_NBAND, 3, 8, 128), jnp.float32),
        mesh=mesh,
        scratch_types=[
            pltpu.VMEM((2, _NE, _D), jnp.float32),
            pltpu.VMEM((2, _NE), jnp.int32),
            pltpu.VMEM((50, 16), jnp.int32),
            pltpu.VMEM((3, 4, 128), jnp.float32),
            pltpu.SemaphoreType.DMA((2,)),
        ],
        compiler_params=pltpu.CompilerParams(needs_layout_passes=False,
                                             use_tc_tiling_on_sc=False),
    )(tab, tbl)
    return out4.transpose(0, 2, 1, 3).reshape(_BATCH, 384)[:, :_NSEL]

# --- scband reference (transcript-rebuilt; emitter-appended) ---
"""Pipeline reference for scband-probs-to-nnary-layer-25958782337872 (READ-ONLY COPY).

The authoritative reference and input builder live on the scoring server;
editing this copy changes nothing except your own understanding.
"""

import jax, jax.numpy as jnp
import numpy as np
from itertools import combinations

SIZE_IN = 14
HOTNESS = 3
BATCH = 4096
IN_DIM = 2 ** SIZE_IN  # 16384


def generate_bitstrings(n, k):
    bitstrings = []
    for ones_positions in combinations(range(n), k):
        bitstring = ['0'] * n
        for pos in ones_positions:
            bitstring[pos] = '1'
        bitstrings.append(''.join(bitstring))
    return bitstrings


_BITSTRINGS = generate_bitstrings(SIZE_IN, HOTNESS)
FILT = np.array([int(np.sum([2 ** i for i, b in enumerate(bs) if b == '1'])) for bs in _BITSTRINGS], dtype=np.int32)


def setup_inputs(seed: int = 0) -> dict:
    key = jax.random.key(seed)
    input_var = jax.random.uniform(key, (BATCH, IN_DIM), dtype=jnp.float32)
    return {"input_var": input_var}


def reference(input_var):
    filt = jnp.asarray(FILT, dtype=jnp.int32)
    # gather selected columns, then affine transform (faithful to input_var[:, filt] * 12 - 6)
    gathered = jnp.take(input_var, filt, axis=1)
    return gathered * 12 - 6

if __name__ == "__main__":
    import jax
    _d = setup_inputs()
    print(jax.jit(kernel)(*tuple(_d.values())))

</pallas_src>

<mosaic_0001>
#map = affine_map<(d0, d1) -> (0, 0)>
#map1 = affine_map<(d0, d1) -> (0, 0, 0, 0)>
module attributes {stable_mosaic.version = 14 : i64} {
  func.func @_body(%arg0: i32, %arg1: i32, %arg2: memref<131072x512xf32, #tpu.memory_space<hbm>>, %arg3: memref<50x16xi32, #tpu.memory_space<hbm>>, %arg4: memref<512x3x8x128xf32, #tpu.memory_space<hbm>>, %arg5: memref<2x64x512xf32, #tpu.memory_space<vmem>>, %arg6: memref<2x64xi32, #tpu.memory_space<vmem>>, %arg7: memref<50x16xi32, #tpu.memory_space<vmem>>, %arg8: memref<3x4x128xf32, #tpu.memory_space<vmem>>, %arg9: memref<2x!tpu.dma_semaphore, #tpu.memory_space<semaphore_mem>>) attributes {dimension_semantics = [#tpu.dimension_semantics<core_parallel>, #tpu.dimension_semantics<subcore_parallel>], iteration_bounds = array<i64: 2, 16>, scalar_prefetch = 0 : i64, scratch_operands = 5 : i64, tpu.core_type = #tpu.core_type<sc_vector_subcore>, window_params = [{transform_indices = #map}, {transform_indices = #map}, {transform_indices = #map1}]} {
    %mul3A = arith.constant 2 : i32
    %mul3A_0 = arith.muli %arg1, %mul3A : i32
    %add3A = arith.addi %mul3A_0, %arg0 : i32
    "tpu.region"() ({
      %run_scoped3A = tpu.sem_alloc : memref<!tpu.dma_semaphore, #tpu.memory_space<semaphore_mem>>
      tpu.enqueue_dma source(%arg3 : memref<50x16xi32, #tpu.memory_space<hbm>>) target(%arg7 : memref<50x16xi32, #tpu.memory_space<vmem>>) target_semaphore(%run_scoped3A : memref<!tpu.dma_semaphore, #tpu.memory_space<semaphore_mem>>)
      tpu.wait_dma2 semaphore(%run_scoped3A : memref<!tpu.dma_semaphore, #tpu.memory_space<semaphore_mem>>) src(%arg3 : memref<50x16xi32, #tpu.memory_space<hbm>>) dst(%arg7 : memref<50x16xi32, #tpu.memory_space<vmem>>)
      tpu.yield
    }) : () -> ()
    %mul3A_1 = arith.constant 32 : i32
    %mul3A_2 = arith.muli %add3A, %mul3A_1 : i32
    %add3A_3 = arith.constant 0 : i32
    %add3A_4 = arith.addi %mul3A_2, %add3A_3 : i32
    %div3A = arith.constant 2 : i32
    %div3A_5 = arith.divsi %add3A_4, %div3A : i32
    %mul3A_6 = arith.constant 256 : i32
    %mul3A_7 = arith.muli %div3A_5, %mul3A_6 : i32
    %rem3A = arith.constant 2 : i32
    %rem3A_8 = arith.remsi %add3A_4, %rem3A : i32
    %add3A_9 = arith.addi %mul3A_7, %rem3A_8 : i32
    %get3A = arith.constant 0 : i32
    %get3A_10 = arith.index_cast %get3A : i32 to index
    %get3A_11 = arith.constant 0 : index
    %get3A_12 = tpu.vector_load %arg7[%get3A_10, %get3A_11] {strides = array<i32>} : memref<50x16xi32, #tpu.memory_space<vmem>>, vector<16xi32>,
    %add3A_13 = vector.broadcast %add3A_9 : i32 to vector<16xi32>
    %add3A_14 = arith.addi %get3A_12, %add3A_13 : vector<16xi32>
    %swap3A = arith.constant 0 : i32
    %swap3A_15 = arith.constant 0 : i32
    %swap3A_16 = tpu.memref_slice %arg6[%swap3A, %swap3A_15] : memref<2x64xi32, #tpu.memory_space<vmem>> -> memref<1x64xi32, #tpu.memory_space<vmem>>
    %swap3A_17 = tpu.memref_squeeze %swap3A_16 : memref<1x64xi32, #tpu.memory_space<vmem>> -> memref<64xi32, #tpu.memory_space<vmem>>
    %swap3A_18 = arith.constant 0 : index
    %swap3A_19 = tpu.vector_load %swap3A_17[%swap3A_18] {strides = array<i32>} : memref<64xi32, #tpu.memory_space<vmem>>, vector<16xi32>,
    tpu.vector_store %swap3A_17[%swap3A_18], %add3A_14 {strides = array<i32>} : memref<64xi32, #tpu.memory_space<vmem>>, vector<16xi32>,
    %get3A_20 = arith.constant 1 : i32
    %get3A_21 = arith.index_cast %get3A_20 : i32 to index
    %get3A_22 = arith.constant 0 : index
    %get3A_23 = tpu.vector_load %arg7[%get3A_21, %get3A_22] {strides = array<i32>} : memref<50x16xi32, #tpu.memory_space<vmem>>, vector<16xi32>,
    %add3A_24 = vector.broadcast %add3A_9 : i32 to vector<16xi32>
    %add3A_25 = arith.addi %get3A_23, %add3A_24 : vector<16xi32>
    %swap3A_26 = arith.constant 0 : i32
    %swap3A_27 = arith.constant 0 : i32
    %swap3A_28 = tpu.memref_slice %arg6[%swap3A_26, %swap3A_27] : memref<2x64xi32, #tpu.memory_space<vmem>> -> memref<1x64xi32, #tpu.memory_space<vmem>>
    %swap3A_29 = tpu.memref_squeeze %swap3A_28 : memref<1x64xi32, #tpu.memory_space<vmem>> -> memref<64xi32, #tpu.memory_space<vmem>>
    %swap3A_30 = arith.constant 16 : index
    %swap3A_31 = tpu.vector_load %swap3A_29[%swap3A_30] {strides = array<i32>} : memref<64xi32, #tpu.memory_space<vmem>>, vector<16xi32>,
    tpu.vector_store %swap3A_29[%swap3A_30], %add3A_25 {strides = array<i32>} : memref<64xi32, #tpu.memory_space<vmem>>, vector<16xi32>,
    %get3A_32 = arith.constant 2 : i32
    %get3A_33 = arith.index_cast %get3A_32 : i32 to index
    %get3A_34 = arith.constant 0 : index
    %get3A_35 = tpu.vector_load %arg7[%get3A_33, %get3A_34] {strides = array<i32>} : memref<50x16xi32, #tpu.memory_space<vmem>>, vector<16xi32>,
    %add3A_36 = vector.broadcast %add3A_9 : i32 to vector<16xi32>
    %add3A_37 = arith.addi %get3A_35, %add3A_36 : vector<16xi32>
    %swap3A_38 = arith.constant 0 : i32
    %swap3A_39 = arith.constant 0 : i32
    %swap3A_40 = tpu.memref_slice %arg6[%swap3A_38, %swap3A_39] : memref<2x64xi32, #tpu.memory_space<vmem>> -> memref<1x64xi32, #tpu.memory_space<vmem>>
    %swap3A_41 = tpu.memref_squeeze %swap3A_40 : memref<1x64xi32, #tpu.memory_space<vmem>> -> memref<64xi32, #tpu.memory_space<vmem>>
    %swap3A_42 = arith.constant 32 : index
    %swap3A_43 = tpu.vector_load %swap3A_41[%swap3A_42] {strides = array<i32>} : memref<64xi32, #tpu.memory_space<vmem>>, vector<16xi32>,
    tpu.vector_store %swap3A_41[%swap3A_42], %add3A_37 {strides = array<i32>} : memref<64xi32, #tpu.memory_space<vmem>>, vector<16xi32>,
    %get3A_44 = arith.constant 3 : i32
    %get3A_45 = arith.index_cast %get3A_44 : i32 to index
    %get3A_46 = arith.constant 0 : index
    %get3A_47 = tpu.vector_load %arg7[%get3A_45, %get3A_46] {strides = array<i32>} : memref<50x16xi32, #tpu.memory_space<vmem>>, vector<16xi32>,
    %add3A_48 = vector.broadcast %add3A_9 : i32 to vector<16xi32>
    %add3A_49 = arith.addi %get3A_47, %add3A_48 : vector<16xi32>
    %swap3A_50 = arith.constant 0 : i32
    %swap3A_51 = arith.constant 0 : i32
    %swap3A_52 = tpu.memref_slice %arg6[%swap3A_50, %swap3A_51] : memref<2x64xi32, #tpu.memory_space<vmem>> -> memref<1x64xi32, #tpu.memory_space<vmem>>
    %swap3A_53 = tpu.memref_squeeze %swap3A_52 : memref<1x64xi32, #tpu.memory_space<vmem>> -> memref<64xi32, #tpu.memory_space<vmem>>
    %swap3A_54 = arith.constant 48 : index
    %swap3A_55 = tpu.vector_load %swap3A_53[%swap3A_54] {strides = array<i32>} : memref<64xi32, #tpu.memory_space<vmem>>, vector<16xi32>,
    tpu.vector_store %swap3A_53[%swap3A_54], %add3A_49 {strides = array<i32>} : memref<64xi32, #tpu.memory_space<vmem>>, vector<16xi32>,
    %dma_start3A = arith.constant 0 : i32
    %dma_start3A_56 = arith.constant 0 : i32
    %dma_start3A_57 = arith.constant 0 : i32
    %dma_start3A_58 = arith.constant 0 : i32
    %dma_start3A_59 = arith.constant 0 : i32
    %dma_start3A_60 = tpu.memref_slice %arg5[%dma_start3A_56, %dma_start3A_58, %dma_start3A_59] : memref<2x64x512xf32, #tpu.memory_space<vmem>> -> memref<1x64x512xf32, #tpu.memory_space<vmem>>
    %dma_start3A_61 = tpu.memref_squeeze %dma_start3A_60 : memref<1x64x512xf32, #tpu.memory_space<vmem>> -> memref<64x512xf32, #tpu.memory_space<vmem>>
    %dma_start3A_62 = arith.constant 0 : i32
    %dma_start3A_63 = tpu.memref_slice %arg6[%dma_start3A, %dma_start3A_62] : memref<2x64xi32, #tpu.memory_space<vmem>> -> memref<1x64xi32, #tpu.memory_space<vmem>>
    %dma_start3A_64 = tpu.memref_squeeze %dma_start3A_63 : memref<1x64xi32, #tpu.memory_space<vmem>> -> memref<64xi32, #tpu.memory_space<vmem>>
    %dma_start3A_65 = arith.constant 0 : i32
    %dma_start3A_66 = arith.constant 0 : i32
    %dma_start3A_67 = tpu.memref_slice %arg2[%dma_start3A_65, %dma_start3A_66] : memref<131072x512xf32, #tpu.memory_space<hbm>> -> memref<131072x512xf32, #tpu.memory_space<hbm>>
    %dma_start3A_68 = tpu.memref_slice %arg9[%dma_start3A_57] : memref<2x!tpu.dma_semaphore, #tpu.memory_space<semaphore_mem>> -> memref<1x!tpu.dma_semaphore, #tpu.memory_space<semaphore_mem>>
    %dma_start3A_69 = tpu.memref_squeeze %dma_start3A_68 : memref<1x!tpu.dma_semaphore, #tpu.memory_space<semaphore_mem>> -> memref<!tpu.dma_semaphore, #tpu.memory_space<semaphore_mem>>
    tpu.enqueue_indirect_dma source(%dma_start3A_67 : memref<131072x512xf32, #tpu.memory_space<hbm>>) target(%dma_start3A_61 : memref<64x512xf32, #tpu.memory_space<vmem>>) offsets(%dma_start3A_64 : memref<64xi32, #tpu.memory_space<vmem>>) semaphore(%dma_start3A_69 : memref<!tpu.dma_semaphore, #tpu.memory_space<semaphore_mem>>)
    %scan3A = arith.constant 0 : i32
    %scan3A_70 = arith.constant 0 : i32
    %scan3A_71 = arith.constant 32 : i32
    %scan3A_72 = arith.addi %scan3A_70, %scan3A_71 : i32
    %scan3A_73 = arith.constant 1 : i32
    %scan3A_74 = scf.for %scan3A_76 = %scan3A_70 to %scan3A_72 step %scan3A_73 iter_args(%scan3A_77 = %scan3A) -> (i32)  : i32 {
      %rem3A_78 = arith.constant 2 : i32
      %rem3A_79 = arith.remsi %scan3A_76, %rem3A_78 : i32
      %add3A_80 = arith.constant 1 : i32
      %add3A_81 = arith.addi %scan3A_76, %add3A_80 : i32
      %lt3A = arith.constant 32 : i32
      %lt3A_82 = arith.cmpi slt, %add3A_81, %lt3A : i32
      %convert_element_type3A = arith.extui %lt3A_82 : i1 to i32
      %cond3A = arith.constant 0 : i32
      %cond3A_83 = arith.cmpi ne, %convert_element_type3A, %cond3A : i32
      scf.if %cond3A_83 {
        %add3A_116 = arith.constant 1 : i32
        %add3A_117 = arith.addi %scan3A_76, %add3A_116 : i32
        %sub3A = arith.constant 1 : i32
        %sub3A_118 = arith.subi %sub3A, %rem3A_79 : i32
        %mul3A_119 = arith.constant 32 : i32
        %mul3A_120 = arith.muli %add3A, %mul3A_119 : i32
        %add3A_121 = arith.addi %mul3A_120, %add3A_117 : i32
        %div3A_122 = arith.constant 2 : i32
        %div3A_123 = arith.divsi %add3A_121, %div3A_122 : i32
        %mul3A_124 = arith.constant 256 : i32
        %mul3A_125 = arith.muli %div3A_123, %mul3A_124 : i32
        %rem3A_126 = arith.constant 2 : i32
        %rem3A_127 = arith.remsi %add3A_121, %rem3A_126 : i32
        %add3A_128 = arith.addi %mul3A_125, %rem3A_127 : i32
        %get3A_129 = arith.constant 0 : i32
        %get3A_130 = arith.index_cast %get3A_129 : i32 to index
        %get3A_131 = arith.constant 0 : index
        %get3A_132 = tpu.vector_load %arg7[%get3A_130, %get3A_131] {strides = array<i32>} : memref<50x16xi32, #tpu.memory_space<vmem>>, vector<16xi32>,
        %add3A_133 = vector.broadcast %add3A_128 : i32 to vector<16xi32>
        %add3A_134 = arith.addi %get3A_132, %add3A_133 : vector<16xi32>
        %swap3A_135 = arith.constant 0 : i32
        %swap3A_136 = tpu.memref_slice %arg6[%sub3A_118, %swap3A_135] : memref<2x64xi32, #tpu.memory_space<vmem>> -> memref<1x64xi32, #tpu.memory_space<vmem>>
        %swap3A_137 = tpu.memref_squeeze %swap3A_136 : memref<1x64xi32, #tpu.memory_space<vmem>> -> memref<64xi32, #tpu.memory_space<vmem>>
        %swap3A_138 = arith.constant 0 : index
        %swap3A_139 = tpu.vector_load %swap3A_137[%swap3A_138] {strides = array<i32>} : memref<64xi32, #tpu.memory_space<vmem>>, vector<16xi32>,
        tpu.vector_store %swap3A_137[%swap3A_138], %add3A_134 {strides = array<i32>} : memref<64xi32, #tpu.memory_space<vmem>>, vector<16xi32>,
        %get3A_140 = arith.constant 1 : i32
        %get3A_141 = arith.index_cast %get3A_140 : i32 to index
        %get3A_142 = arith.constant 0 : index
        %get3A_143 = tpu.vector_load %arg7[%get3A_141, %get3A_142] {strides = array<i32>} : memref<50x16xi32, #tpu.memory_space<vmem>>, vector<16xi32>,
        %add3A_144 = vector.broadcast %add3A_128 : i32 to vector<16xi32>
        %add3A_145 = arith.addi %get3A_143, %add3A_144 : vector<16xi32>
        %swap3A_146 = arith.constant 0 : i32
        %swap3A_147 = tpu.memref_slice %arg6[%sub3A_118, %swap3A_146] : memref<2x64xi32, #tpu.memory_space<vmem>> -> memref<1x64xi32, #tpu.memory_space<vmem>>
        %swap3A_148 = tpu.memref_squeeze %swap3A_147 : memref<1x64xi32, #tpu.memory_space<vmem>> -> memref<64xi32, #tpu.memory_space<vmem>>
        %swap3A_149 = arith.constant 16 : index
        %swap3A_150 = tpu.vector_load %swap3A_148[%swap3A_149] {strides = array<i32>} : memref<64xi32, #tpu.memory_space<vmem>>, vector<16xi32>,
        tpu.vector_store %swap3A_148[%swap3A_149], %add3A_145 {strides = array<i32>} : memref<64xi32, #tpu.memory_space<vmem>>, vector<16xi32>,
        %get3A_151 = arith.constant 2 : i32
        %get3A_152 = arith.index_cast %get3A_151 : i32 to index
        %get3A_153 = arith.constant 0 : index
        %get3A_154 = tpu.vector_load %arg7[%get3A_152, %get3A_153] {strides = array<i32>} : memref<50x16xi32, #tpu.memory_space<vmem>>, vector<16xi32>,
        %add3A_155 = vector.broadcast %add3A_128 : i32 to vector<16xi32>
        %add3A_156 = arith.addi %get3A_154, %add3A_155 : vector<16xi32>
        %swap3A_157 = arith.constant 0 : i32
        %swap3A_158 = tpu.memref_slice %arg6[%sub3A_118, %swap3A_157] : memref<2x64xi32, #tpu.memory_space<vmem>> -> memref<1x64xi32, #tpu.memory_space<vmem>>
        %swap3A_159 = tpu.memref_squeeze %swap3A_158 : memref<1x64xi32, #tpu.memory_space<vmem>> -> memref<64xi32, #tpu.memory_space<vmem>>
        %swap3A_160 = arith.constant 32 : index
        %swap3A_161 = tpu.vector_load %swap3A_159[%swap3A_160] {strides = array<i32>} : memref<64xi32, #tpu.memory_space<vmem>>, vector<16xi32>,
        tpu.vector_store %swap3A_159[%swap3A_160], %add3A_156 {strides = array<i32>} : memref<64xi32, #tpu.memory_space<vmem>>, vector<16xi32>,
        %get3A_162 = arith.constant 3 : i32
        %get3A_163 = arith.index_cast %get3A_162 : i32 to index
        %get3A_164 = arith.constant 0 : index
        %get3A_165 = tpu.vector_load %arg7[%get3A_163, %get3A_164] {strides = array<i32>} : memref<50x16xi32, #tpu.memory_space<vmem>>, vector<16xi32>,
        %add3A_166 = vector.broadcast %add3A_128 : i32 to vector<16xi32>
        %add3A_167 = arith.addi %get3A_165, %add3A_166 : vector<16xi32>
        %swap3A_168 = arith.constant 0 : i32
        %swap3A_169 = tpu.memref_slice %arg6[%sub3A_118, %swap3A_168] : memref<2x64xi32, #tpu.memory_space<vmem>> -> memref<1x64xi32, #tpu.memory_space<vmem>>
        %swap3A_170 = tpu.memref_squeeze %swap3A_169 : memref<1x64xi32, #tpu.memory_space<vmem>> -> memref<64xi32, #tpu.memory_space<vmem>>
        %swap3A_171 = arith.constant 48 : index
        %swap3A_172 = tpu.vector_load %swap3A_170[%swap3A_171] {strides = array<i32>} : memref<64xi32, #tpu.memory_space<vmem>>, vector<16xi32>,
        tpu.vector_store %swap3A_170[%swap3A_171], %add3A_167 {strides = array<i32>} : memref<64xi32, #tpu.memory_space<vmem>>, vector<16xi32>,
        %dma_start3A_173 = arith.constant 0 : i32
        %dma_start3A_174 = arith.constant 0 : i32
        %dma_start3A_175 = tpu.memref_slice %arg5[%sub3A_118, %dma_start3A_173, %dma_start3A_174] : memref<2x64x512xf32, #tpu.memory_space<vmem>> -> memref<1x64x512xf32, #tpu.memory_space<vmem>>
        %dma_start3A_176 = tpu.memref_squeeze %dma_start3A_175 : memref<1x64x512xf32, #tpu.memory_space<vmem>> -> memref<64x512xf32, #tpu.memory_space<vmem>>
        %dma_start3A_177 = arith.constant 0 : i32
        %dma_start3A_178 = tpu.memref_slice %arg6[%sub3A_118, %dma_start3A_177] : memref<2x64xi32, #tpu.memory_space<vmem>> -> memref<1x64xi32, #tpu.memory_space<vmem>>
        %dma_start3A_179 = tpu.memref_squeeze %dma_start3A_178 : memref<1x64xi32, #tpu.memory_space<vmem>> -> memref<64xi32, #tpu.memory_space<vmem>>
        %dma_start3A_180 = arith.constant 0 : i32
        %dma_start3A_181 = arith.constant 0 : i32
        %dma_start3A_182 = tpu.memref_slice %arg2[%dma_start3A_180, %dma_start3A_181] : memref<131072x512xf32, #tpu.memory_space<hbm>> -> memref<131072x512xf32, #tpu.memory_space<hbm>>
        %dma_start3A_183 = tpu.memref_slice %arg9[%sub3A_118] : memref<2x!tpu.dma_semaphore, #tpu.memory_space<semaphore_mem>> -> memref<1x!tpu.dma_semaphore, #tpu.memory_space<semaphore_mem>>
        %dma_start3A_184 = tpu.memref_squeeze %dma_start3A_183 : memref<1x!tpu.dma_semaphore, #tpu.memory_space<semaphore_mem>> -> memref<!tpu.dma_semaphore, #tpu.memory_space<semaphore_mem>>
        tpu.enqueue_indirect_dma source(%dma_start3A_182 : memref<131072x512xf32, #tpu.memory_space<hbm>>) target(%dma_start3A_176 : memref<64x512xf32, #tpu.memory_space<vmem>>) offsets(%dma_start3A_179 : memref<64xi32, #tpu.memory_space<vmem>>) semaphore(%dma_start3A_184 : memref<!tpu.dma_semaphore, #tpu.memory_space<semaphore_mem>>)
      } else {
      }
      %dma_wait3A = arith.constant 0 : i32
      %dma_wait3A_84 = arith.constant 0 : i32
      %dma_wait3A_85 = tpu.memref_slice %arg5[%rem3A_79, %dma_wait3A, %dma_wait3A_84] : memref<2x64x512xf32, #tpu.memory_space<vmem>> -> memref<1x64x512xf32, #tpu.memory_space<vmem>>
      %dma_wait3A_86 = tpu.memref_squeeze %dma_wait3A_85 : memref<1x64x512xf32, #tpu.memory_space<vmem>> -> memref<64x512xf32, #tpu.memory_space<vmem>>
      %dma_wait3A_87 = arith.constant 0 : i32
      %dma_wait3A_88 = arith.constant 0 : i32
      %dma_wait3A_89 = tpu.memref_slice %arg2[%dma_wait3A_87, %dma_wait3A_88] : memref<131072x512xf32, #tpu.memory_space<hbm>> -> memref<64x512xf32, #tpu.memory_space<hbm>>
      %dma_wait3A_90 = tpu.memref_slice %arg9[%rem3A_79] : memref<2x!tpu.dma_semaphore, #tpu.memory_space<semaphore_mem>> -> memref<1x!tpu.dma_semaphore, #tpu.memory_space<semaphore_mem>>
      %dma_wait3A_91 = tpu.memref_squeeze %dma_wait3A_90 : memref<1x!tpu.dma_semaphore, #tpu.memory_space<semaphore_mem>> -> memref<!tpu.dma_semaphore, #tpu.memory_space<semaphore_mem>>
      %dma_wait3A_92 = arith.constant 0 : i32
      %dma_wait3A_93 = arith.constant 0 : i32
      %dma_wait3A_94 = tpu.memref_slice %arg5[%rem3A_79, %dma_wait3A_92, %dma_wait3A_93] : memref<2x64x512xf32, #tpu.memory_space<vmem>> -> memref<1x64x512xf32, #tpu.memory_space<vmem>>
      %dma_wait3A_95 = tpu.memref_squeeze %dma_wait3A_94 : memref<1x64x512xf32, #tpu.memory_space<vmem>> -> memref<64x512xf32, #tpu.memory_space<vmem>>
      %dma_wait3A_96 = arith.constant 0 : i32
      %dma_wait3A_97 = arith.constant 0 : i32
      %dma_wait3A_98 = tpu.memref_slice %arg2[%dma_wait3A_96, %dma_wait3A_97] : memref<131072x512xf32, #tpu.memory_space<hbm>> -> memref<64x512xf32, #tpu.memory_space<hbm>>
      tpu.wait_dma2 semaphore(%dma_wait3A_91 : memref<!tpu.dma_semaphore, #tpu.memory_space<semaphore_mem>>) src(%dma_wait3A_98 : memref<64x512xf32, #tpu.memory_space<hbm>>) dst(%dma_wait3A_95 : memref<64x512xf32, #tpu.memory_space<vmem>>)
      %scan3A_99 = arith.constant 0 : i32
      %scan3A_100 = arith.constant 0 : i32
      %scan3A_101 = arith.constant 4 : i32
      %scan3A_102 = arith.addi %scan3A_100, %scan3A_101 : i32
      %scan3A_103 = arith.constant 1 : i32
      %scan3A_104 = scf.for %scan3A_116 = %scan3A_100 to %scan3A_102 step %scan3A_103 iter_args(%scan3A_117 = %scan3A_99) -> (i32)  : i32 {
        %mul3A_118 = arith.constant 128 : i32
        %mul3A_119 = arith.muli %scan3A_116, %mul3A_118 : i32
        %get3A_120 = arith.constant 4 : i32
        %get3A_121 = arith.index_cast %get3A_120 : i32 to index
        %get3A_122 = arith.constant 0 : index
        %get3A_123 = tpu.vector_load %arg7[%get3A_121, %get3A_122] {strides = array<i32>} : memref<50x16xi32, #tpu.memory_space<vmem>>, vector<16xi32>,
        %get3A_124 = arith.constant 27 : i32
        %get3A_125 = arith.index_cast %get3A_124 : i32 to index
        %get3A_126 = arith.constant 0 : index
        %get3A_127 = tpu.vector_load %arg7[%get3A_125, %get3A_126] {strides = array<i32>} : memref<50x16xi32, #tpu.memory_space<vmem>>, vector<16xi32>,
        %add3A_128 = vector.broadcast %mul3A_119 : i32 to vector<16xi32>
        %add3A_129 = arith.addi %get3A_127, %add3A_128 : vector<16xi32>
        %gather3A = arith.constant 0 : i32
        %gather3A_130 = arith.constant 0 : i32
        %gather3A_131 = tpu.memref_slice %arg5[%rem3A_79, %gather3A, %gather3A_130] : memref<2x64x512xf32, #tpu.memory_space<vmem>> -> memref<1x64x512xf32, #tpu.memory_space<vmem>>
        %gather3A_132 = tpu.memref_squeeze %gather3A_131 : memref<1x64x512xf32, #tpu.memory_space<vmem>> -> memref<64x512xf32, #tpu.memory_space<vmem>>
        %gather3A_133 = tpu.vector_load_idx %gather3A_132[%get3A_123, %add3A_129] : memref<64x512xf32, #tpu.memory_space<vmem>>[vector<16xi32>, vector<16xi32>], vector<16xf32>,
        %mul3A_134 = arith.constant 1.200000e+01 : f32
        %mul3A_135 = vector.broadcast %mul3A_134 : f32 to vector<16xf32>
        %mul3A_136 = arith.mulf %gather3A_133, %mul3A_135 : vector<16xf32>
        %sub3A = arith.constant 6.000000e+00 : f32
        %sub3A_137 = vector.broadcast %sub3A : f32 to vector<16xf32>
        %sub3A_138 = arith.subf %mul3A_136, %sub3A_137 : vector<16xf32>
        %swap3A_139 = arith.constant 0 : i32
        %swap3A_140 = arith.index_cast %swap3A_139 : i32 to index
        %swap3A_141 = arith.index_cast %scan3A_116 : i32 to index
        %swap3A_142 = arith.constant 0 : index
        %swap3A_143 = tpu.vector_load %arg8[%swap3A_140, %swap3A_141, %swap3A_142] {strides = array<i32>} : memref<3x4x128xf32, #tpu.memory_space<vmem>>, vector<16xf32>,
        tpu.vector_store %arg8[%swap3A_140, %swap3A_141, %swap3A_142], %sub3A_138 {strides = array<i32>} : memref<3x4x128xf32, #tpu.memory_space<vmem>>, vector<16xf32>,
        %get3A_144 = arith.constant 5 : i32
        %get3A_145 = arith.index_cast %get3A_144 : i32 to index
        %get3A_146 = arith.constant 0 : index
        %get3A_147 = tpu.vector_load %arg7[%get3A_145, %get3A_146] {strides = array<i32>} : memref<50x16xi32, #tpu.memory_space<vmem>>, vector<16xi32>,
        %get3A_148 = arith.constant 28 : i32
        %get3A_149 = arith.index_cast %get3A_148 : i32 to index
        %get3A_150 = arith.constant 0 : index
        %get3A_151 = tpu.vector_load %arg7[%get3A_149, %get3A_150] {strides = array<i32>} : memref<50x16xi32, #tpu.memory_space<vmem>>, vector<16xi32>,
        %add3A_152 = vector.broadcast %mul3A_119 : i32 to vector<16xi32>
        %add3A_153 = arith.addi %get3A_151, %add3A_152 : vector<16xi32>
        %gather3A_154 = arith.constant 0 : i32
        %gather3A_155 = arith.constant 0 : i32
        %gather3A_156 = tpu.memref_slice %arg5[%rem3A_79, %gather3A_154, %gather3A_155] : memref<2x64x512xf32, #tpu.memory_space<vmem>> -> memref<1x64x512xf32, #tpu.memory_space<vmem>>
        %gather3A_157 = tpu.memref_squeeze %gather3A_156 : memref<1x64x512xf32, #tpu.memory_space<vmem>> -> memref<64x512xf32, #tpu.memory_space<vmem>>
        %gather3A_158 = tpu.vector_load_idx %gather3A_157[%get3A_147, %add3A_153] : memref<64x512xf32, #tpu.memory_space<vmem>>[vector<16xi32>, vector<16xi32>], vector<16xf32>,
        %mul3A_159 = arith.constant 1.200000e+01 : f32
        %mul3A_160 = vector.broadcast %mul3A_159 : f32 to vector<16xf32>
        %mul3A_161 = arith.mulf %gather3A_158, %mul3A_160 : vector<16xf32>
        %sub3A_162 = arith.constant 6.000000e+00 : f32
        %sub3A_163 = vector.broadcast %sub3A_162 : f32 to vector<16xf32>
        %sub3A_164 = arith.subf %mul3A_161, %sub3A_163 : vector<16xf32>
        %swap3A_165 = arith.constant 0 : i32
        %swap3A_166 = arith.index_cast %swap3A_165 : i32 to index
        %swap3A_167 = arith.index_cast %scan3A_116 : i32 to index
        %swap3A_168 = arith.constant 16 : index
        %swap3A_169 = tpu.vector_load %arg8[%swap3A_166, %swap3A_167, %swap3A_168] {strides = array<i32>} : memref<3x4x128xf32, #tpu.memory_space<vmem>>, vector<16xf32>,
        tpu.vector_store %arg8[%swap3A_166, %swap3A_167, %swap3A_168], %sub3A_164 {strides = array<i32>} : memref<3x4x128xf32, #tpu.memory_space<vmem>>, vector<16xf32>,
        %get3A_170 = arith.constant 6 : i32
        %get3A_171 = arith.index_cast %get3A_170 : i32 to index
        %get3A_172 = arith.constant 0 : index
        %get3A_173 = tpu.vector_load %arg7[%get3A_171, %get3A_172] {strides = array<i32>} : memref<50x16xi32, #tpu.memory_space<vmem>>, vector<16xi32>,
        %get3A_174 = arith.constant 29 : i32
        %get3A_175 = arith.index_cast %get3A_174 : i32 to index
        %get3A_176 = arith.constant 0 : index
        %get3A_177 = tpu.vector_load %arg7[%get3A_175, %get3A_176] {strides = array<i32>} : memref<50x16xi32, #tpu.memory_space<vmem>>, vector<16xi32>,
        %add3A_178 = vector.broadcast %mul3A_119 : i32 to vector<16xi32>
        %add3A_179 = arith.addi %get3A_177, %add3A_178 : vector<16xi32>
        %gather3A_180 = arith.constant 0 : i32
        %gather3A_181 = arith.constant 0 : i32
        %gather3A_182 = tpu.memref_slice %arg5[%rem3A_79, %gather3A_180, %gather3A_181] : memref<2x64x512xf32, #tpu.memory_space<vmem>> -> memref<1x64x512xf32, #tpu.memory_space<vmem>>
        %gather3A_183 = tpu.memref_squeeze %gather3A_182 : memref<1x64x512xf32, #tpu.memory_space<vmem>> -> memref<64x512xf32, #tpu.memory_space<vmem>>
        %gather3A_184 = tpu.vector_load_idx %gather3A_183[%get3A_173, %add3A_179] : memref<64x512xf32, #tpu.memory_space<vmem>>[vector<16xi32>, vector<16xi32>], vector<16xf32>,
        %mul3A_185 = arith.constant 1.200000e+01 : f32
        %mul3A_186 = vector.broadcast %mul3A_185 : f32 to vector<16xf32>
        %mul3A_187 = arith.mulf %gather3A_184, %mul3A_186 : vector<16xf32>
        %sub3A_188 = arith.constant 6.000000e+00 : f32
        %sub3A_189 = vector.broadcast %sub3A_188 : f32 to vector<16xf32>
        %sub3A_190 = arith.subf %mul3A_187, %sub3A_189 : vector<16xf32>
        %swap3A_191 = arith.constant 0 : i32
        %swap3A_192 = arith.index_cast %swap3A_191 : i32 to index
        %swap3A_193 = arith.index_cast %scan3A_116 : i32 to index
        %swap3A_194 = arith.constant 32 : index
        %swap3A_195 = tpu.vector_load %arg8[%swap3A_192, %swap3A_193, %swap3A_194] {strides = array<i32>} : memref<3x4x128xf32, #tpu.memory_space<vmem>>, vector<16xf32>,
        tpu.vector_store %arg8[%swap3A_192, %swap3A_193, %swap3A_194], %sub3A_190 {strides = array<i32>} : memref<3x4x128xf32, #tpu.memory_space<vmem>>, vector<16xf32>,
        %get3A_196 = arith.constant 7 : i32
        %get3A_197 = arith.index_cast %get3A_196 : i32 to index
        %get3A_198 = arith.constant 0 : index
        %get3A_199 = tpu.vector_load %arg7[%get3A_197, %get3A_198] {strides = array<i32>} : memref<50x16xi32, #tpu.memory_space<vmem>>, vector<16xi32>,
        %get3A_200 = arith.constant 30 : i32
        %get3A_201 = arith.index_cast %get3A_200 : i32 to index
        %get3A_202 = arith.constant 0 : index
        %get3A_203 = tpu.vector_load %arg7[%get3A_201, %get3A_202] {strides = array<i32>} : memref<50x16xi32, #tpu.memory_space<vmem>>, vector<16xi32>,
        %add3A_204 = vector.broadcast %mul3A_119 : i32 to vector<16xi32>
        %add3A_205 = arith.addi %get3A_203, %add3A_204 : vector<16xi32>
        %gather3A_206 = arith.constant 0 : i32
        %gather3A_207 = arith.constant 0 : i32
        %gather3A_208 = tpu.memref_slice %arg5[%rem3A_79, %gather3A_206, %gather3A_207] : memref<2x64x512xf32, #tpu.memory_space<vmem>> -> memref<1x64x512xf32, #tpu.memory_space<vmem>>
        %gather3A_209 = tpu.memref_squeeze %gather3A_208 : memref<1x64x512xf32, #tpu.memory_space<vmem>> -> memref<64x512xf32, #tpu.memory_space<vmem>>
        %gather3A_210 = tpu.vector_load_idx %gather3A_209[%get3A_199, %add3A_205] : memref<64x512xf32, #tpu.memory_space<vmem>>[vector<16xi32>, vector<16xi32>], vector<16xf32>,
        %mul3A_211 = arith.constant 1.200000e+01 : f32
        %mul3A_212 = vector.broadcast %mul3A_211 : f32 to vector<16xf32>
        %mul3A_213 = arith.mulf %gather3A_210, %mul3A_212 : vector<16xf32>
        %sub3A_214 = arith.constant 6.000000e+00 : f32
        %sub3A_215 = vector.broadcast %sub3A_214 : f32 to vector<16xf32>
        %sub3A_216 = arith.subf %mul3A_213, %sub3A_215 : vector<16xf32>
        %swap3A_217 = arith.constant 0 : i32
        %swap3A_218 = arith.index_cast %swap3A_217 : i32 to index
        %swap3A_219 = arith.index_cast %scan3A_116 : i32 to index
        %swap3A_220 = arith.constant 48 : index
        %swap3A_221 = tpu.vector_load %arg8[%swap3A_218, %swap3A_219, %swap3A_220] {strides = array<i32>} : memref<3x4x128xf32, #tpu.memory_space<vmem>>, vector<16xf32>,
        tpu.vector_store %arg8[%swap3A_218, %swap3A_219, %swap3A_220], %sub3A_216 {strides = array<i32>} : memref<3x4x128xf32, #tpu.memory_space<vmem>>, vector<16xf32>,
        %get3A_222 = arith.constant 8 : i32
        %get3A_223 = arith.index_cast %get3A_222 : i32 to index
        %get3A_224 = arith.constant 0 : index
        %get3A_225 = tpu.vector_load %arg7[%get3A_223, %get3A_224] {strides = array<i32>} : memref<50x16xi32, #tpu.memory_space<vmem>>, vector<16xi32>,
        %get3A_226 = arith.constant 31 : i32
        %get3A_227 = arith.index_cast %get3A_226 : i32 to index
        %get3A_228 = arith.constant 0 : index
        %get3A_229 = tpu.vector_load %arg7[%get3A_227, %get3A_228] {strides = array<i32>} : memref<50x16xi32, #tpu.memory_space<vmem>>, vector<16xi32>,
        %add3A_230 = vector.broadcast %mul3A_119 : i32 to vector<16xi32>
        %add3A_231 = arith.addi %get3A_229, %add3A_230 : vector<16xi32>
        %gather3A_232 = arith.constant 0 : i32
        %gather3A_233 = arith.constant 0 : i32
        %gather3A_234 = tpu.memref_slice %arg5[%rem3A_79, %gather3A_232, %gather3A_233] : memref<2x64x512xf32, #tpu.memory_space<vmem>> -> memref<1x64x512xf32, #tpu.memory_space<vmem>>
        %gather3A_235 = tpu.memref_squeeze %gather3A_234 : memref<1x64x512xf32, #tpu.memory_space<vmem>> -> memref<64x512xf32, #tpu.memory_space<vmem>>
        %gather3A_236 = tpu.vector_load_idx %gather3A_235[%get3A_225, %add3A_231] : memref<64x512xf32, #tpu.memory_space<vmem>>[vector<16xi32>, vector<16xi32>], vector<16xf32>,
        %mul3A_237 = arith.constant 1.200000e+01 : f32
        %mul3A_238 = vector.broadcast %mul3A_237 : f32 to vector<16xf32>
        %mul3A_239 = arith.mulf %gather3A_236, %mul3A_238 : vector<16xf32>
        %sub3A_240 = arith.constant 6.000000e+00 : f32
        %sub3A_241 = vector.broadcast %sub3A_240 : f32 to vector<16xf32>
        %sub3A_242 = arith.subf %mul3A_239, %sub3A_241 : vector<16xf32>
        %swap3A_243 = arith.constant 0 : i32
        %swap3A_244 = arith.index_cast %swap3A_243 : i32 to index
        %swap3A_245 = arith.index_cast %scan3A_116 : i32 to index
        %swap3A_246 = arith.constant 64 : index
        %swap3A_247 = tpu.vector_load %arg8[%swap3A_244, %swap3A_245, %swap3A_246] {strides = array<i32>} : memref<3x4x128xf32, #tpu.memory_space<vmem>>, vector<16xf32>,
        tpu.vector_store %arg8[%swap3A_244, %swap3A_245, %swap3A_246], %sub3A_242 {strides = array<i32>} : memref<3x4x128xf32, #tpu.memory_space<vmem>>, vector<16xf32>,
        %get3A_248 = arith.constant 9 : i32
        %get3A_249 = arith.index_cast %get3A_248 : i32 to index
        %get3A_250 = arith.constant 0 : index
        %get3A_251 = tpu.vector_load %arg7[%get3A_249, %get3A_250] {strides = array<i32>} : memref<50x16xi32, #tpu.memory_space<vmem>>, vector<16xi32>,
        %get3A_252 = arith.constant 32 : i32
        %get3A_253 = arith.index_cast %get3A_252 : i32 to index
        %get3A_254 = arith.constant 0 : index
        %get3A_255 = tpu.vector_load %arg7[%get3A_253, %get3A_254] {strides = array<i32>} : memref<50x16xi32, #tpu.memory_space<vmem>>, vector<16xi32>,
        %add3A_256 = vector.broadcast %mul3A_119 : i32 to vector<16xi32>
        %add3A_257 = arith.addi %get3A_255, %add3A_256 : vector<16xi32>
        %gather3A_258 = arith.constant 0 : i32
        %gather3A_259 = arith.constant 0 : i32
        %gather3A_260 = tpu.memref_slice %arg5[%rem3A_79, %gather3A_258, %gather3A_259] : memref<2x64x512xf32, #tpu.memory_space<vmem>> -> memref<1x64x512xf32, #tpu.memory_space<vmem>>
        %gather3A_261 = tpu.memref_squeeze %gather3A_260 : memref<1x64x512xf32, #tpu.memory_space<vmem>> -> memref<64x512xf32, #tpu.memory_space<vmem>>
        %gather3A_262 = tpu.vector_load_idx %gather3A_261[%get3A_251, %add3A_257] : memref<64x512xf32, #tpu.memory_space<vmem>>[vector<16xi32>, vector<16xi32>], vector<16xf32>,
        %mul3A_263 = arith.constant 1.200000e+01 : f32
        %mul3A_264 = vector.broadcast %mul3A_263 : f32 to vector<16xf32>
        %mul3A_265 = arith.mulf %gather3A_262, %mul3A_264 : vector<16xf32>
        %sub3A_266 = arith.constant 6.000000e+00 : f32
        %sub3A_267 = vector.broadcast %sub3A_266 : f32 to vector<16xf32>
        %sub3A_268 = arith.subf %mul3A_265, %sub3A_267 : vector<16xf32>
        %swap3A_269 = arith.constant 0 : i32
        %swap3A_270 = arith.index_cast %swap3A_269 : i32 to index
        %swap3A_271 = arith.index_cast %scan3A_116 : i32 to index
        %swap3A_272 = arith.constant 80 : index
        %swap3A_273 = tpu.vector_load %arg8[%swap3A_270, %swap3A_271, %swap3A_272] {strides = array<i32>} : memref<3x4x128xf32, #tpu.memory_space<vmem>>, vector<16xf32>,
        tpu.vector_store %arg8[%swap3A_270, %swap3A_271, %swap3A_272], %sub3A_268 {strides = array<i32>} : memref<3x4x128xf32, #tpu.memory_space<vmem>>, vector<16xf32>,
        %get3A_274 = arith.constant 10 : i32
        %get3A_275 = arith.index_cast %get3A_274 : i32 to index
        %get3A_276 = arith.constant 0 : index
        %get3A_277 = tpu.vector_load %arg7[%get3A_275, %get3A_276] {strides = array<i32>} : memref<50x16xi32, #tpu.memory_space<vmem>>, vector<16xi32>,
        %get3A_278 = arith.constant 33 : i32
        %get3A_279 = arith.index_cast %get3A_278 : i32 to index
        %get3A_280 = arith.constant 0 : index
        %get3A_281 = tpu.vector_load %arg7[%get3A_279, %get3A_280] {strides = array<i32>} : memref<50x16xi32, #tpu.memory_space<vmem>>, vector<16xi32>,
        %add3A_282 = vector.broadcast %mul3A_119 : i32 to vector<16xi32>
        %add3A_283 = arith.addi %get3A_281, %add3A_282 : vector<16xi32>
        %gather3A_284 = arith.constant 0 : i32
        %gather3A_285 = arith.constant 0 : i32
        %gather3A_286 = tpu.memref_slice %arg5[%rem3A_79, %gather3A_284, %gather3A_285] : memref<2x64x512xf32, #tpu.memory_space<vmem>> -> memref<1x64x512xf32, #tpu.memory_space<vmem>>
        %gather3A_287 = tpu.memref_squeeze %gather3A_286 : memref<1x64x512xf32, #tpu.memory_space<vmem>> -> memref<64x512xf32, #tpu.memory_space<vmem>>
        %gather3A_288 = tpu.vector_load_idx %gather3A_287[%get3A_277, %add3A_283] : memref<64x512xf32, #tpu.memory_space<vmem>>[vector<16xi32>, vector<16xi32>], vector<16xf32>,
        %mul3A_289 = arith.constant 1.200000e+01 : f32
        %mul3A_290 = vector.broadcast %mul3A_289 : f32 to vector<16xf32>
        %mul3A_291 = arith.mulf %gather3A_288, %mul3A_290 : vector<16xf32>
        %sub3A_292 = arith.constant 6.000000e+00 : f32
        %sub3A_293 = vector.broadcast %sub3A_292 : f32 to vector<16xf32>
        %sub3A_294 = arith.subf %mul3A_291, %sub3A_293 : vector<16xf32>
        %swap3A_295 = arith.constant 0 : i32
        %swap3A_296 = arith.index_cast %swap3A_295 : i32 to index
        %swap3A_297 = arith.index_cast %scan3A_116 : i32 to index
        %swap3A_298 = arith.constant 96 : index
        %swap3A_299 = tpu.vector_load %arg8[%swap3A_296, %swap3A_297, %swap3A_298] {strides = array<i32>} : memref<3x4x128xf32, #tpu.memory_space<vmem>>, vector<16xf32>,
        tpu.vector_store %arg8[%swap3A_296, %swap3A_297, %swap3A_298], %sub3A_294 {strides = array<i32>} : memref<3x4x128xf32, #tpu.memory_space<vmem>>, vector<16xf32>,
        %get3A_300 = arith.constant 11 : i32
        %get3A_301 = arith.index_cast %get3A_300 : i32 to index
        %get3A_302 = arith.constant 0 : index
        %get3A_303 = tpu.vector_load %arg7[%get3A_301, %get3A_302] {strides = array<i32>} : memref<50x16xi32, #tpu.memory_space<vmem>>, vector<16xi32>,
        %get3A_304 = arith.constant 34 : i32
        %get3A_305 = arith.index_cast %get3A_304 : i32 to index
        %get3A_306 = arith.constant 0 : index
        %get3A_307 = tpu.vector_load %arg7[%get3A_305, %get3A_306] {strides = array<i32>} : memref<50x16xi32, #tpu.memory_space<vmem>>, vector<16xi32>,
        %add3A_308 = vector.broadcast %mul3A_119 : i32 to vector<16xi32>
        %add3A_309 = arith.addi %get3A_307, %add3A_308 : vector<16xi32>
        %gather3A_310 = arith.constant 0 : i32
        %gather3A_311 = arith.constant 0 : i32
        %gather3A_312 = tpu.memref_slice %arg5[%rem3A_79, %gather3A_310, %gather3A_311] : memref<2x64x512xf32, #tpu.memory_space<vmem>> -> memref<1x64x512xf32, #tpu.memory_space<vmem>>
        %gather3A_313 = tpu.memref_squeeze %gather3A_312 : memref<1x64x512xf32, #tpu.memory_space<vmem>> -> memref<64x512xf32, #tpu.memory_space<vmem>>
        %gather3A_314 = tpu.vector_load_idx %gather3A_313[%get3A_303, %add3A_309] : memref<64x512xf32, #tpu.memory_space<vmem>>[vector<16xi32>, vector<16xi32>], vector<16xf32>,
        %mul3A_315 = arith.constant 1.200000e+01 : f32
        %mul3A_316 = vector.broadcast %mul3A_315 : f32 to vector<16xf32>
        %mul3A_317 = arith.mulf %gather3A_314, %mul3A_316 : vector<16xf32>
        %sub3A_318 = arith.constant 6.000000e+00 : f32
        %sub3A_319 = vector.broadcast %sub3A_318 : f32 to vector<16xf32>
        %sub3A_320 = arith.subf %mul3A_317, %sub3A_319 : vector<16xf32>
        %swap3A_321 = arith.constant 0 : i32
        %swap3A_322 = arith.index_cast %swap3A_321 : i32 to index
        %swap3A_323 = arith.index_cast %scan3A_116 : i32 to index
        %swap3A_324 = arith.constant 112 : index
        %swap3A_325 = tpu.vector_load %arg8[%swap3A_322, %swap3A_323, %swap3A_324] {strides = array<i32>} : memref<3x4x128xf32, #tpu.memory_space<vmem>>, vector<16xf32>,
        tpu.vector_store %arg8[%swap3A_322, %swap3A_323, %swap3A_324], %sub3A_320 {strides = array<i32>} : memref<3x4x128xf32, #tpu.memory_space<vmem>>, vector<16xf32>,
        %get3A_326 = arith.constant 12 : i32
        %get3A_327 = arith.index_cast %get3A_326 : i32 to index
        %get3A_328 = arith.constant 0 : index
        %get3A_329 = tpu.vector_load %arg7[%get3A_327, %get3A_328] {strides = array<i32>} : memref<50x16xi32, #tpu.memory_space<vmem>>, vector<16xi32>,
        %get3A_330 = arith.constant 35 : i32
        %get3A_331 = arith.index_cast %get3A_330 : i32 to index
        %get3A_332 = arith.constant 0 : index
        %get3A_333 = tpu.vector_load %arg7[%get3A_331, %get3A_332] {strides = array<i32>} : memref<50x16xi32, #tpu.memory_space<vmem>>, vector<16xi32>,
        %add3A_334 = vector.broadcast %mul3A_119 : i32 to vector<16xi32>
        %add3A_335 = arith.addi %get3A_333, %add3A_334 : vector<16xi32>
        %gather3A_336 = arith.constant 0 : i32
        %gather3A_337 = arith.constant 0 : i32
        %gather3A_338 = tpu.memref_slice %arg5[%rem3A_79, %gather3A_336, %gather3A_337] : memref<2x64x512xf32, #tpu.memory_space<vmem>> -> memref<1x64x512xf32, #tpu.memory_space<vmem>>
        %gather3A_339 = tpu.memref_squeeze %gather3A_338 : memref<1x64x512xf32, #tpu.memory_space<vmem>> -> memref<64x512xf32, #tpu.memory_space<vmem>>
        %gather3A_340 = tpu.vector_load_idx %gather3A_339[%get3A_329, %add3A_335] : memref<64x512xf32, #tpu.memory_space<vmem>>[vector<16xi32>, vector<16xi32>], vector<16xf32>,
        %mul3A_341 = arith.constant 1.200000e+01 : f32
        %mul3A_342 = vector.broadcast %mul3A_341 : f32 to vector<16xf32>
        %mul3A_343 = arith.mulf %gather3A_340, %mul3A_342 : vector<16xf32>
        %sub3A_344 = arith.constant 6.000000e+00 : f32
        %sub3A_345 = vector.broadcast %sub3A_344 : f32 to vector<16xf32>
        %sub3A_346 = arith.subf %mul3A_343, %sub3A_345 : vector<16xf32>
        %swap3A_347 = arith.constant 1 : i32
        %swap3A_348 = arith.index_cast %swap3A_347 : i32 to index
        %swap3A_349 = arith.index_cast %scan3A_116 : i32 to index
        %swap3A_350 = arith.constant 0 : index
        %swap3A_351 = tpu.vector_load %arg8[%swap3A_348, %swap3A_349, %swap3A_350] {strides = array<i32>} : memref<3x4x128xf32, #tpu.memory_space<vmem>>, vector<16xf32>,
        tpu.vector_store %arg8[%swap3A_348, %swap3A_349, %swap3A_350], %sub3A_346 {strides = array<i32>} : memref<3x4x128xf32, #tpu.memory_space<vmem>>, vector<16xf32>,
        %get3A_352 = arith.constant 13 : i32
        %get3A_353 = arith.index_cast %get3A_352 : i32 to index
        %get3A_354 = arith.constant 0 : index
        %get3A_355 = tpu.vector_load %arg7[%get3A_353, %get3A_354] {strides = array<i32>} : memref<50x16xi32, #tpu.memory_space<vmem>>, vector<16xi32>,
        %get3A_356 = arith.constant 36 : i32
        %get3A_357 = arith.index_cast %get3A_356 : i32 to index
        %get3A_358 = arith.constant 0 : index
        %get3A_359 = tpu.vector_load %arg7[%get3A_357, %get3A_358] {strides = array<i32>} : memref<50x16xi32, #tpu.memory_space<vmem>>, vector<16xi32>,
        %add3A_360 = vector.broadcast %mul3A_119 : i32 to vector<16xi32>
        %add3A_361 = arith.addi %get3A_359, %add3A_360 : vector<16xi32>
        %gather3A_362 = arith.constant 0 : i32
        %gather3A_363 = arith.constant 0 : i32
        %gather3A_364 = tpu.memref_slice %arg5[%rem3A_79, %gather3A_362, %gather3A_363] : memref<2x64x512xf32, #tpu.memory_space<vmem>> -> memref<1x64x512xf32, #tpu.memory_space<vmem>>
        %gather3A_365 = tpu.memref_squeeze %gather3A_364 : memref<1x64x512xf32, #tpu.memory_space<vmem>> -> memref<64x512xf32, #tpu.memory_space<vmem>>
        %gather3A_366 = tpu.vector_load_idx %gather3A_365[%get3A_355, %add3A_361] : memref<64x512xf32, #tpu.memory_space<vmem>>[vector<16xi32>, vector<16xi32>], vector<16xf32>,
        %mul3A_367 = arith.constant 1.200000e+01 : f32
        %mul3A_368 = vector.broadcast %mul3A_367 : f32 to vector<16xf32>
        %mul3A_369 = arith.mulf %gather3A_366, %mul3A_368 : vector<16xf32>
        %sub3A_370 = arith.constant 6.000000e+00 : f32
        %sub3A_371 = vector.broadcast %sub3A_370 : f32 to vector<16xf32>
        %sub3A_372 = arith.subf %mul3A_369, %sub3A_371 : vector<16xf32>
        %swap3A_373 = arith.constant 1 : i32
        %swap3A_374 = arith.index_cast %swap3A_373 : i32 to index
        %swap3A_375 = arith.index_cast %scan3A_116 : i32 to index
        %swap3A_376 = arith.constant 16 : index
        %swap3A_377 = tpu.vector_load %arg8[%swap3A_374, %swap3A_375, %swap3A_376] {strides = array<i32>} : memref<3x4x128xf32, #tpu.memory_space<vmem>>, vector<16xf32>,
        tpu.vector_store %arg8[%swap3A_374, %swap3A_375, %swap3A_376], %sub3A_372 {strides = array<i32>} : memref<3x4x128xf32, #tpu.memory_space<vmem>>, vector<16xf32>,
        %get3A_378 = arith.constant 14 : i32
        %get3A_379 = arith.index_cast %get3A_378 : i32 to index
        %get3A_380 = arith.constant 0 : index
        %get3A_381 = tpu.vector_load %arg7[%get3A_379, %get3A_380] {strides = array<i32>} : memref<50x16xi32, #tpu.memory_space<vmem>>, vector<16xi32>,
        %get3A_382 = arith.constant 37 : i32
        %get3A_383 = arith.index_cast %get3A_382 : i32 to index
        %get3A_384 = arith.constant 0 : index
        %get3A_385 = tpu.vector_load %arg7[%get3A_383, %get3A_384] {strides = array<i32>} : memref<50x16xi32, #tpu.memory_space<vmem>>, vector<16xi32>,
        %add3A_386 = vector.broadcast %mul3A_119 : i32 to vector<16xi32>
        %add3A_387 = arith.addi %get3A_385, %add3A_386 : vector<16xi32>
        %gather3A_388 = arith.constant 0 : i32
        %gather3A_389 = arith.constant 0 : i32
        %gather3A_390 = tpu.memref_slice %arg5[%rem3A_79, %gather3A_388, %gather3A_389] : memref<2x64x512xf32, #tpu.memory_space<vmem>> -> memref<1x64x512xf32, #tpu.memory_space<vmem>>
        %gather3A_391 = tpu.memref_squeeze %gather3A_390 : memref<1x64x512xf32, #tpu.memory_space<vmem>> -> memref<64x512xf32, #tpu.memory_space<vmem>>
        %gather3A_392 = tpu.vector_load_idx %gather3A_391[%get3A_381, %add3A_387] : memref<64x512xf32, #tpu.memory_space<vmem>>[vector<16xi32>, vector<16xi32>], vector<16xf32>,
        %mul3A_393 = arith.constant 1.200000e+01 : f32
        %mul3A_394 = vector.broadcast %mul3A_393 : f32 to vector<16xf32>
        %mul3A_395 = arith.mulf %gather3A_392, %mul3A_394 : vector<16xf32>
        %sub3A_396 = arith.constant 6.000000e+00 : f32
        %sub3A_397 = vector.broadcast %sub3A_396 : f32 to vector<16xf32>
        %sub3A_398 = arith.subf %mul3A_395, %sub3A_397 : vector<16xf32>
        %swap3A_399 = arith.constant 1 : i32
        %swap3A_400 = arith.index_cast %swap3A_399 : i32 to index
        %swap3A_401 = arith.index_cast %scan3A_116 : i32 to index
        %swap3A_402 = arith.constant 32 : index
        %swap3A_403 = tpu.vector_load %arg8[%swap3A_400, %swap3A_401, %swap3A_402] {strides = array<i32>} : memref<3x4x128xf32, #tpu.memory_space<vmem>>, vector<16xf32>,
        tpu.vector_store %arg8[%swap3A_400, %swap3A_401, %swap3A_402], %sub3A_398 {strides = array<i32>} : memref<3x4x128xf32, #tpu.memory_space<vmem>>, vector<16xf32>,
        %get3A_404 = arith.constant 15 : i32
        %get3A_405 = arith.index_cast %get3A_404 : i32 to index
        %get3A_406 = arith.constant 0 : index
        %get3A_407 = tpu.vector_load %arg7[%get3A_405, %get3A_406] {strides = array<i32>} : memref<50x16xi32, #tpu.memory_space<vmem>>, vector<16xi32>,
        %get3A_408 = arith.constant 38 : i32
        %get3A_409 = arith.index_cast %get3A_408 : i32 to index
        %get3A_410 = arith.constant 0 : index
        %get3A_411 = tpu.vector_load %arg7[%get3A_409, %get3A_410] {strides = array<i32>} : memref<50x16xi32, #tpu.memory_space<vmem>>, vector<16xi32>,
        %add3A_412 = vector.broadcast %mul3A_119 : i32 to vector<16xi32>
        %add3A_413 = arith.addi %get3A_411, %add3A_412 : vector<16xi32>
        %gather3A_414 = arith.constant 0 : i32
        %gather3A_415 = arith.constant 0 : i32
        %gather3A_416 = tpu.memref_slice %arg5[%rem3A_79, %gather3A_414, %gather3A_415] : memref<2x64x512xf32, #tpu.memory_space<vmem>> -> memref<1x64x512xf32, #tpu.memory_space<vmem>>
        %gather3A_417 = tpu.memref_squeeze %gather3A_416 : memref<1x64x512xf32, #tpu.memory_space<vmem>> -> memref<64x512xf32, #tpu.memory_space<vmem>>
        %gather3A_418 = tpu.vector_load_idx %gather3A_417[%get3A_407, %add3A_413] : memref<64x512xf32, #tpu.memory_space<vmem>>[vector<16xi32>, vector<16xi32>], vector<16xf32>,
        %mul3A_419 = arith.constant 1.200000e+01 : f32
        %mul3A_420 = vector.broadcast %mul3A_419 : f32 to vector<16xf32>
        %mul3A_421 = arith.mulf %gather3A_418, %mul3A_420 : vector<16xf32>
        %sub3A_422 = arith.constant 6.000000e+00 : f32
        %sub3A_423 = vector.broadcast %sub3A_422 : f32 to vector<16xf32>
        %sub3A_424 = arith.subf %mul3A_421, %sub3A_423 : vector<16xf32>
        %swap3A_425 = arith.constant 1 : i32
        %swap3A_426 = arith.index_cast %swap3A_425 : i32 to index
        %swap3A_427 = arith.index_cast %scan3A_116 : i32 to index
        %swap3A_428 = arith.constant 48 : index
        %swap3A_429 = tpu.vector_load %arg8[%swap3A_426, %swap3A_427, %swap3A_428] {strides = array<i32>} : memref<3x4x128xf32, #tpu.memory_space<vmem>>, vector<16xf32>,
        tpu.vector_store %arg8[%swap3A_426, %swap3A_427, %swap3A_428], %sub3A_424 {strides = array<i32>} : memref<3x4x128xf32, #tpu.memory_space<vmem>>, vector<16xf32>,
        %get3A_430 = arith.constant 16 : i32
        %get3A_431 = arith.index_cast %get3A_430 : i32 to index
        %get3A_432 = arith.constant 0 : index
        %get3A_433 = tpu.vector_load %arg7[%get3A_431, %get3A_432] {strides = array<i32>} : memref<50x16xi32, #tpu.memory_space<vmem>>, vector<16xi32>,
        %get3A_434 = arith.constant 39 : i32
        %get3A_435 = arith.index_cast %get3A_434 : i32 to index
        %get3A_436 = arith.constant 0 : index
        %get3A_437 = tpu.vector_load %arg7[%get3A_435, %get3A_436] {strides = array<i32>} : memref<50x16xi32, #tpu.memory_space<vmem>>, vector<16xi32>,
        %add3A_438 = vector.broadcast %mul3A_119 : i32 to vector<16xi32>
        %add3A_439 = arith.addi %get3A_437, %add3A_438 : vector<16xi32>
        %gather3A_440 = arith.constant 0 : i32
        %gather3A_441 = arith.constant 0 : i32
        %gather3A_442 = tpu.memref_slice %arg5[%rem3A_79, %gather3A_440, %gather3A_441] : memref<2x64x512xf32, #tpu.memory_space<vmem>> -> memref<1x64x512xf32, #tpu.memory_space<vmem>>
        %gather3A_443 = tpu.memref_squeeze %gather3A_442 : memref<1x64x512xf32, #tpu.memory_space<vmem>> -> memref<64x512xf32, #tpu.memory_space<vmem>>
        %gather3A_444 = tpu.vector_load_idx %gather3A_443[%get3A_433, %add3A_439] : memref<64x512xf32, #tpu.memory_space<vmem>>[vector<16xi32>, vector<16xi32>], vector<16xf32>,
        %mul3A_445 = arith.constant 1.200000e+01 : f32
        %mul3A_446 = vector.broadcast %mul3A_445 : f32 to vector<16xf32>
        %mul3A_447 = arith.mulf %gather3A_444, %mul3A_446 : vector<16xf32>
        %sub3A_448 = arith.constant 6.000000e+00 : f32
        %sub3A_449 = vector.broadcast %sub3A_448 : f32 to vector<16xf32>
        %sub3A_450 = arith.subf %mul3A_447, %sub3A_449 : vector<16xf32>
        %swap3A_451 = arith.constant 1 : i32
        %swap3A_452 = arith.index_cast %swap3A_451 : i32 to index
        %swap3A_453 = arith.index_cast %scan3A_116 : i32 to index
        %swap3A_454 = arith.constant 64 : index
        %swap3A_455 = tpu.vector_load %arg8[%swap3A_452, %swap3A_453, %swap3A_454] {strides = array<i32>} : memref<3x4x128xf32, #tpu.memory_space<vmem>>, vector<16xf32>,
        tpu.vector_store %arg8[%swap3A_452, %swap3A_453, %swap3A_454], %sub3A_450 {strides = array<i32>} : memref<3x4x128xf32, #tpu.memory_space<vmem>>, vector<16xf32>,
        %get3A_456 = arith.constant 17 : i32
        %get3A_457 = arith.index_cast %get3A_456 : i32 to index
        %get3A_458 = arith.constant 0 : index
        %get3A_459 = tpu.vector_load %arg7[%get3A_457, %get3A_458] {strides = array<i32>} : memref<50x16xi32, #tpu.memory_space<vmem>>, vector<16xi32>,
        %get3A_460 = arith.constant 40 : i32
        %get3A_461 = arith.index_cast %get3A_460 : i32 to index
        %get3A_462 = arith.constant 0 : index
        %get3A_463 = tpu.vector_load %arg7[%get3A_461, %get3A_462] {strides = array<i32>} : memref<50x16xi32, #tpu.memory_space<vmem>>, vector<16xi32>,
        %add3A_464 = vector.broadcast %mul3A_119 : i32 to vector<16xi32>
        %add3A_465 = arith.addi %get3A_463, %add3A_464 : vector<16xi32>
        %gather3A_466 = arith.constant 0 : i32
        %gather3A_467 = arith.constant 0 : i32
        %gather3A_468 = tpu.memref_slice %arg5[%rem3A_79, %gather3A_466, %gather3A_467] : memref<2x64x512xf32, #tpu.memory_space<vmem>> -> memref<1x64x512xf32, #tpu.memory_space<vmem>>
        %gather3A_469 = tpu.memref_squeeze %gather3A_468 : memref<1x64x512xf32, #tpu.memory_space<vmem>> -> memref<64x512xf32, #tpu.memory_space<vmem>>
        %gather3A_470 = tpu.vector_load_idx %gather3A_469[%get3A_459, %add3A_465] : memref<64x512xf32, #tpu.memory_space<vmem>>[vector<16xi32>, vector<16xi32>], vector<16xf32>,
        %mul3A_471 = arith.constant 1.200000e+01 : f32
        %mul3A_472 = vector.broadcast %mul3A_471 : f32 to vector<16xf32>
        %mul3A_473 = arith.mulf %gather3A_470, %mul3A_472 : vector<16xf32>
        %sub3A_474 = arith.constant 6.000000e+00 : f32
        %sub3A_475 = vector.broadcast %sub3A_474 : f32 to vector<16xf32>
        %sub3A_476 = arith.subf %mul3A_473, %sub3A_475 : vector<16xf32>
        %swap3A_477 = arith.constant 1 : i32
        %swap3A_478 = arith.index_cast %swap3A_477 : i32 to index
        %swap3A_479 = arith.index_cast %scan3A_116 : i32 to index
        %swap3A_480 = arith.constant 80 : index
        %swap3A_481 = tpu.vector_load %arg8[%swap3A_478, %swap3A_479, %swap3A_480] {strides = array<i32>} : memref<3x4x128xf32, #tpu.memory_space<vmem>>, vector<16xf32>,
        tpu.vector_store %arg8[%swap3A_478, %swap3A_479, %swap3A_480], %sub3A_476 {strides = array<i32>} : memref<3x4x128xf32, #tpu.memory_space<vmem>>, vector<16xf32>,
        %get3A_482 = arith.constant 18 : i32
        %get3A_483 = arith.index_cast %get3A_482 : i32 to index
        %get3A_484 = arith.constant 0 : index
        %get3A_485 = tpu.vector_load %arg7[%get3A_483, %get3A_484] {strides = array<i32>} : memref<50x16xi32, #tpu.memory_space<vmem>>, vector<16xi32>,
        %get3A_486 = arith.constant 41 : i32
        %get3A_487 = arith.index_cast %get3A_486 : i32 to index
        %get3A_488 = arith.constant 0 : index
        %get3A_489 = tpu.vector_load %arg7[%get3A_487, %get3A_488] {strides = array<i32>} : memref<50x16xi32, #tpu.memory_space<vmem>>, vector<16xi32>,
        %add3A_490 = vector.broadcast %mul3A_119 : i32 to vector<16xi32>
        %add3A_491 = arith.addi %get3A_489, %add3A_490 : vector<16xi32>
        %gather3A_492 = arith.constant 0 : i32
        %gather3A_493 = arith.constant 0 : i32
        %gather3A_494 = tpu.memref_slice %arg5[%rem3A_79, %gather3A_492, %gather3A_493] : memref<2x64x512xf32, #tpu.memory_space<vmem>> -> memref<1x64x512xf32, #tpu.memory_space<vmem>>
        %gather3A_495 = tpu.memref_squeeze %gather3A_494 : memref<1x64x512xf32, #tpu.memory_space<vmem>> -> memref<64x512xf32, #tpu.memory_space<vmem>>
        %gather3A_496 = tpu.vector_load_idx %gather3A_495[%get3A_485, %add3A_491] : memref<64x512xf32, #tpu.memory_space<vmem>>[vector<16xi32>, vector<16xi32>], vector<16xf32>,
        %mul3A_497 = arith.constant 1.200000e+01 : f32
        %mul3A_498 = vector.broadcast %mul3A_497 : f32 to vector<16xf32>
        %mul3A_499 = arith.mulf %gather3A_496, %mul3A_498 : vector<16xf32>
        %sub3A_500 = arith.constant 6.000000e+00 : f32
        %sub3A_501 = vector.broadcast %sub3A_500 : f32 to vector<16xf32>
        %sub3A_502 = arith.subf %mul3A_499, %sub3A_501 : vector<16xf32>
        %swap3A_503 = arith.constant 1 : i32
        %swap3A_504 = arith.index_cast %swap3A_503 : i32 to index
        %swap3A_505 = arith.index_cast %scan3A_116 : i32 to index
        %swap3A_506 = arith.constant 96 : index
        %swap3A_507 = tpu.vector_load %arg8[%swap3A_504, %swap3A_505, %swap3A_506] {strides = array<i32>} : memref<3x4x128xf32, #tpu.memory_space<vmem>>, vector<16xf32>,
        tpu.vector_store %arg8[%swap3A_504, %swap3A_505, %swap3A_506], %sub3A_502 {strides = array<i32>} : memref<3x4x128xf32, #tpu.memory_space<vmem>>, vector<16xf32>,
        %get3A_508 = arith.constant 19 : i32
        %get3A_509 = arith.index_cast %get3A_508 : i32 to index
        %get3A_510 = arith.constant 0 : index
        %get3A_511 = tpu.vector_load %arg7[%get3A_509, %get3A_510] {strides = array<i32>} : memref<50x16xi32, #tpu.memory_space<vmem>>, vector<16xi32>,
        %get3A_512 = arith.constant 42 : i32
        %get3A_513 = arith.index_cast %get3A_512 : i32 to index
        %get3A_514 = arith.constant 0 : index
        %get3A_515 = tpu.vector_load %arg7[%get3A_513, %get3A_514] {strides = array<i32>} : memref<50x16xi32, #tpu.memory_space<vmem>>, vector<16xi32>,
        %add3A_516 = vector.broadcast %mul3A_119 : i32 to vector<16xi32>
        %add3A_517 = arith.addi %get3A_515, %add3A_516 : vector<16xi32>
        %gather3A_518 = arith.constant 0 : i32
        %gather3A_519 = arith.constant 0 : i32
        %gather3A_520 = tpu.memref_slice %arg5[%rem3A_79, %gather3A_518, %gather3A_519] : memref<2x64x512xf32, #tpu.memory_space<vmem>> -> memref<1x64x512xf32, #tpu.memory_space<vmem>>
        %gather3A_521 = tpu.memref_squeeze %gather3A_520 : memref<1x64x512xf32, #tpu.memory_space<vmem>> -> memref<64x512xf32, #tpu.memory_space<vmem>>
        %gather3A_522 = tpu.vector_load_idx %gather3A_521[%get3A_511, %add3A_517] : memref<64x512xf32, #tpu.memory_space<vmem>>[vector<16xi32>, vector<16xi32>], vector<16xf32>,
        %mul3A_523 = arith.constant 1.200000e+01 : f32
        %mul3A_524 = vector.broadcast %mul3A_523 : f32 to vector<16xf32>
        %mul3A_525 = arith.mulf %gather3A_522, %mul3A_524 : vector<16xf32>
        %sub3A_526 = arith.constant 6.000000e+00 : f32
        %sub3A_527 = vector.broadcast %sub3A_526 : f32 to vector<16xf32>
        %sub3A_528 = arith.subf %mul3A_525, %sub3A_527 : vector<16xf32>
        %swap3A_529 = arith.constant 1 : i32
        %swap3A_530 = arith.index_cast %swap3A_529 : i32 to index
        %swap3A_531 = arith.index_cast %scan3A_116 : i32 to index
        %swap3A_532 = arith.constant 112 : index
        %swap3A_533 = tpu.vector_load %arg8[%swap3A_530, %swap3A_531, %swap3A_532] {strides = array<i32>} : memref<3x4x128xf32, #tpu.memory_space<vmem>>, vector<16xf32>,
        tpu.vector_store %arg8[%swap3A_530, %swap3A_531, %swap3A_532], %sub3A_528 {strides = array<i32>} : memref<3x4x128xf32, #tpu.memory_space<vmem>>, vector<16xf32>,
        %get3A_534 = arith.constant 20 : i32
        %get3A_535 = arith.index_cast %get3A_534 : i32 to index
        %get3A_536 = arith.constant 0 : index
        %get3A_537 = tpu.vector_load %arg7[%get3A_535, %get3A_536] {strides = array<i32>} : memref<50x16xi32, #tpu.memory_space<vmem>>, vector<16xi32>,
        %get3A_538 = arith.constant 43 : i32
        %get3A_539 = arith.index_cast %get3A_538 : i32 to index
        %get3A_540 = arith.constant 0 : index
        %get3A_541 = tpu.vector_load %arg7[%get3A_539, %get3A_540] {strides = array<i32>} : memref<50x16xi32, #tpu.memory_space<vmem>>, vector<16xi32>,
        %add3A_542 = vector.broadcast %mul3A_119 : i32 to vector<16xi32>
        %add3A_543 = arith.addi %get3A_541, %add3A_542 : vector<16xi32>
        %gather3A_544 = arith.constant 0 : i32
        %gather3A_545 = arith.constant 0 : i32
        %gather3A_546 = tpu.memref_slice %arg5[%rem3A_79, %gather3A_544, %gather3A_545] : memref<2x64x512xf32, #tpu.memory_space<vmem>> -> memref<1x64x512xf32, #tpu.memory_space<vmem>>
        %gather3A_547 = tpu.memref_squeeze %gather3A_546 : memref<1x64x512xf32, #tpu.memory_space<vmem>> -> memref<64x512xf32, #tpu.memory_space<vmem>>
        %gather3A_548 = tpu.vector_load_idx %gather3A_547[%get3A_537, %add3A_543] : memref<64x512xf32, #tpu.memory_space<vmem>>[vector<16xi32>, vector<16xi32>], vector<16xf32>,
        %mul3A_549 = arith.constant 1.200000e+01 : f32
        %mul3A_550 = vector.broadcast %mul3A_549 : f32 to vector<16xf32>
        %mul3A_551 = arith.mulf %gather3A_548, %mul3A_550 : vector<16xf32>
        %sub3A_552 = arith.constant 6.000000e+00 : f32
        %sub3A_553 = vector.broadcast %sub3A_552 : f32 to vector<16xf32>
        %sub3A_554 = arith.subf %mul3A_551, %sub3A_553 : vector<16xf32>
        %swap3A_555 = arith.constant 2 : i32
        %swap3A_556 = arith.index_cast %swap3A_555 : i32 to index
        %swap3A_557 = arith.index_cast %scan3A_116 : i32 to index
        %swap3A_558 = arith.constant 0 : index
        %swap3A_559 = tpu.vector_load %arg8[%swap3A_556, %swap3A_557, %swap3A_558] {strides = array<i32>} : memref<3x4x128xf32, #tpu.memory_space<vmem>>, vector<16xf32>,
        tpu.vector_store %arg8[%swap3A_556, %swap3A_557, %swap3A_558], %sub3A_554 {strides = array<i32>} : memref<3x4x128xf32, #tpu.memory_space<vmem>>, vector<16xf32>,
        %get3A_560 = arith.constant 21 : i32
        %get3A_561 = arith.index_cast %get3A_560 : i32 to index
        %get3A_562 = arith.constant 0 : index
        %get3A_563 = tpu.vector_load %arg7[%get3A_561, %get3A_562] {strides = array<i32>} : memref<50x16xi32, #tpu.memory_space<vmem>>, vector<16xi32>,
        %get3A_564 = arith.constant 44 : i32
        %get3A_565 = arith.index_cast %get3A_564 : i32 to index
        %get3A_566 = arith.constant 0 : index
        %get3A_567 = tpu.vector_load %arg7[%get3A_565, %get3A_566] {strides = array<i32>} : memref<50x16xi32, #tpu.memory_space<vmem>>, vector<16xi32>,
        %add3A_568 = vector.broadcast %mul3A_119 : i32 to vector<16xi32>
        %add3A_569 = arith.addi %get3A_567, %add3A_568 : vector<16xi32>
        %gather3A_570 = arith.constant 0 : i32
        %gather3A_571 = arith.constant 0 : i32
        %gather3A_572 = tpu.memref_slice %arg5[%rem3A_79, %gather3A_570, %gather3A_571] : memref<2x64x512xf32, #tpu.memory_space<vmem>> -> memref<1x64x512xf32, #tpu.memory_space<vmem>>
        %gather3A_573 = tpu.memref_squeeze %gather3A_572 : memref<1x64x512xf32, #tpu.memory_space<vmem>> -> memref<64x512xf32, #tpu.memory_space<vmem>>
        %gather3A_574 = tpu.vector_load_idx %gather3A_573[%get3A_563, %add3A_569] : memref<64x512xf32, #tpu.memory_space<vmem>>[vector<16xi32>, vector<16xi32>], vector<16xf32>,
        %mul3A_575 = arith.constant 1.200000e+01 : f32
        %mul3A_576 = vector.broadcast %mul3A_575 : f32 to vector<16xf32>
        %mul3A_577 = arith.mulf %gather3A_574, %mul3A_576 : vector<16xf32>
        %sub3A_578 = arith.constant 6.000000e+00 : f32
        %sub3A_579 = vector.broadcast %sub3A_578 : f32 to vector<16xf32>
        %sub3A_580 = arith.subf %mul3A_577, %sub3A_579 : vector<16xf32>
        %swap3A_581 = arith.constant 2 : i32
        %swap3A_582 = arith.index_cast %swap3A_581 : i32 to index
        %swap3A_583 = arith.index_cast %scan3A_116 : i32 to index
        %swap3A_584 = arith.constant 16 : index
        %swap3A_585 = tpu.vector_load %arg8[%swap3A_582, %swap3A_583, %swap3A_584] {strides = array<i32>} : memref<3x4x128xf32, #tpu.memory_space<vmem>>, vector<16xf32>,
        tpu.vector_store %arg8[%swap3A_582, %swap3A_583, %swap3A_584], %sub3A_580 {strides = array<i32>} : memref<3x4x128xf32, #tpu.memory_space<vmem>>, vector<16xf32>,
        %get3A_586 = arith.constant 22 : i32
        %get3A_587 = arith.index_cast %get3A_586 : i32 to index
        %get3A_588 = arith.constant 0 : index
        %get3A_589 = tpu.vector_load %arg7[%get3A_587, %get3A_588] {strides = array<i32>} : memref<50x16xi32, #tpu.memory_space<vmem>>, vector<16xi32>,
        %get3A_590 = arith.constant 45 : i32
        %get3A_591 = arith.index_cast %get3A_590 : i32 to index
        %get3A_592 = arith.constant 0 : index
        %get3A_593 = tpu.vector_load %arg7[%get3A_591, %get3A_592] {strides = array<i32>} : memref<50x16xi32, #tpu.memory_space<vmem>>, vector<16xi32>,
        %add3A_594 = vector.broadcast %mul3A_119 : i32 to vector<16xi32>
        %add3A_595 = arith.addi %get3A_593, %add3A_594 : vector<16xi32>
        %gather3A_596 = arith.constant 0 : i32
        %gather3A_597 = arith.constant 0 : i32
        %gather3A_598 = tpu.memref_slice %arg5[%rem3A_79, %gather3A_596, %gather3A_597] : memref<2x64x512xf32, #tpu.memory_space<vmem>> -> memref<1x64x512xf32, #tpu.memory_space<vmem>>
        %gather3A_599 = tpu.memref_squeeze %gather3A_598 : memref<1x64x512xf32, #tpu.memory_space<vmem>> -> memref<64x512xf32, #tpu.memory_space<vmem>>
        %gather3A_600 = tpu.vector_load_idx %gather3A_599[%get3A_589, %add3A_595] : memref<64x512xf32, #tpu.memory_space<vmem>>[vector<16xi32>, vector<16xi32>], vector<16xf32>,
        %mul3A_601 = arith.constant 1.200000e+01 : f32
        %mul3A_602 = vector.broadcast %mul3A_601 : f32 to vector<16xf32>
        %mul3A_603 = arith.mulf %gather3A_600, %mul3A_602 : vector<16xf32>
        %sub3A_604 = arith.constant 6.000000e+00 : f32
        %sub3A_605 = vector.broadcast %sub3A_604 : f32 to vector<16xf32>
        %sub3A_606 = arith.subf %mul3A_603, %sub3A_605 : vector<16xf32>
        %swap3A_607 = arith.constant 2 : i32
        %swap3A_608 = arith.index_cast %swap3A_607 : i32 to index
        %swap3A_609 = arith.index_cast %scan3A_116 : i32 to index
        %swap3A_610 = arith.constant 32 : index
        %swap3A_611 = tpu.vector_load %arg8[%swap3A_608, %swap3A_609, %swap3A_610] {strides = array<i32>} : memref<3x4x128xf32, #tpu.memory_space<vmem>>, vector<16xf32>,
        tpu.vector_store %arg8[%swap3A_608, %swap3A_609, %swap3A_610], %sub3A_606 {strides = array<i32>} : memref<3x4x128xf32, #tpu.memory_space<vmem>>, vector<16xf32>,
        %get3A_612 = arith.constant 23 : i32
        %get3A_613 = arith.index_cast %get3A_612 : i32 to index
        %get3A_614 = arith.constant 0 : index
        %get3A_615 = tpu.vector_load %arg7[%get3A_613, %get3A_614] {strides = array<i32>} : memref<50x16xi32, #tpu.memory_space<vmem>>, vector<16xi32>,
        %get3A_616 = arith.constant 46 : i32
        %get3A_617 = arith.index_cast %get3A_616 : i32 to index
        %get3A_618 = arith.constant 0 : index
        %get3A_619 = tpu.vector_load %arg7[%get3A_617, %get3A_618] {strides = array<i32>} : memref<50x16xi32, #tpu.memory_space<vmem>>, vector<16xi32>,
        %add3A_620 = vector.broadcast %mul3A_119 : i32 to vector<16xi32>
        %add3A_621 = arith.addi %get3A_619, %add3A_620 : vector<16xi32>
        %gather3A_622 = arith.constant 0 : i32
        %gather3A_623 = arith.constant 0 : i32
        %gather3A_624 = tpu.memref_slice %arg5[%rem3A_79, %gather3A_622, %gather3A_623] : memref<2x64x512xf32, #tpu.memory_space<vmem>> -> memref<1x64x512xf32, #tpu.memory_space<vmem>>
        %gather3A_625 = tpu.memref_squeeze %gather3A_624 : memref<1x64x512xf32, #tpu.memory_space<vmem>> -> memref<64x512xf32, #tpu.memory_space<vmem>>
        %gather3A_626 = tpu.vector_load_idx %gather3A_625[%get3A_615, %add3A_621] : memref<64x512xf32, #tpu.memory_space<vmem>>[vector<16xi32>, vector<16xi32>], vector<16xf32>,
        %mul3A_627 = arith.constant 1.200000e+01 : f32
        %mul3A_628 = vector.broadcast %mul3A_627 : f32 to vector<16xf32>
        %mul3A_629 = arith.mulf %gather3A_626, %mul3A_628 : vector<16xf32>
        %sub3A_630 = arith.constant 6.000000e+00 : f32
        %sub3A_631 = vector.broadcast %sub3A_630 : f32 to vector<16xf32>
        %sub3A_632 = arith.subf %mul3A_629, %sub3A_631 : vector<16xf32>
        %swap3A_633 = arith.constant 2 : i32
        %swap3A_634 = arith.index_cast %swap3A_633 : i32 to index
        %swap3A_635 = arith.index_cast %scan3A_116 : i32 to index
        %swap3A_636 = arith.constant 48 : index
        %swap3A_637 = tpu.vector_load %arg8[%swap3A_634, %swap3A_635, %swap3A_636] {strides = array<i32>} : memref<3x4x128xf32, #tpu.memory_space<vmem>>, vector<16xf32>,
        tpu.vector_store %arg8[%swap3A_634, %swap3A_635, %swap3A_636], %sub3A_632 {strides = array<i32>} : memref<3x4x128xf32, #tpu.memory_space<vmem>>, vector<16xf32>,
        %get3A_638 = arith.constant 24 : i32
        %get3A_639 = arith.index_cast %get3A_638 : i32 to index
        %get3A_640 = arith.constant 0 : index
        %get3A_641 = tpu.vector_load %arg7[%get3A_639, %get3A_640] {strides = array<i32>} : memref<50x16xi32, #tpu.memory_space<vmem>>, vector<16xi32>,
        %get3A_642 = arith.constant 47 : i32
        %get3A_643 = arith.index_cast %get3A_642 : i32 to index
        %get3A_644 = arith.constant 0 : index
        %get3A_645 = tpu.vector_load %arg7[%get3A_643, %get3A_644] {strides = array<i32>} : memref<50x16xi32, #tpu.memory_space<vmem>>, vector<16xi32>,
        %add3A_646 = vector.broadcast %mul3A_119 : i32 to vector<16xi32>
        %add3A_647 = arith.addi %get3A_645, %add3A_646 : vector<16xi32>
        %gather3A_648 = arith.constant 0 : i32
        %gather3A_649 = arith.constant 0 : i32
        %gather3A_650 = tpu.memref_slice %arg5[%rem3A_79, %gather3A_648, %gather3A_649] : memref<2x64x512xf32, #tpu.memory_space<vmem>> -> memref<1x64x512xf32, #tpu.memory_space<vmem>>
        %gather3A_651 = tpu.memref_squeeze %gather3A_650 : memref<1x64x512xf32, #tpu.memory_space<vmem>> -> memref<64x512xf32, #tpu.memory_space<vmem>>
        %gather3A_652 = tpu.vector_load_idx %gather3A_651[%get3A_641, %add3A_647] : memref<64x512xf32, #tpu.memory_space<vmem>>[vector<16xi32>, vector<16xi32>], vector<16xf32>,
        %mul3A_653 = arith.constant 1.200000e+01 : f32
        %mul3A_654 = vector.broadcast %mul3A_653 : f32 to vector<16xf32>
        %mul3A_655 = arith.mulf %gather3A_652, %mul3A_654 : vector<16xf32>
        %sub3A_656 = arith.constant 6.000000e+00 : f32
        %sub3A_657 = vector.broadcast %sub3A_656 : f32 to vector<16xf32>
        %sub3A_658 = arith.subf %mul3A_655, %sub3A_657 : vector<16xf32>
        %swap3A_659 = arith.constant 2 : i32
        %swap3A_660 = arith.index_cast %swap3A_659 : i32 to index
        %swap3A_661 = arith.index_cast %scan3A_116 : i32 to index
        %swap3A_662 = arith.constant 64 : index
        %swap3A_663 = tpu.vector_load %arg8[%swap3A_660, %swap3A_661, %swap3A_662] {strides = array<i32>} : memref<3x4x128xf32, #tpu.memory_space<vmem>>, vector<16xf32>,
        tpu.vector_store %arg8[%swap3A_660, %swap3A_661, %swap3A_662], %sub3A_658 {strides = array<i32>} : memref<3x4x128xf32, #tpu.memory_space<vmem>>, vector<16xf32>,
        %get3A_664 = arith.constant 25 : i32
        %get3A_665 = arith.index_cast %get3A_664 : i32 to index
        %get3A_666 = arith.constant 0 : index
        %get3A_667 = tpu.vector_load %arg7[%get3A_665, %get3A_666] {strides = array<i32>} : memref<50x16xi32, #tpu.memory_space<vmem>>, vector<16xi32>,
        %get3A_668 = arith.constant 48 : i32
        %get3A_669 = arith.index_cast %get3A_668 : i32 to index
        %get3A_670 = arith.constant 0 : index
        %get3A_671 = tpu.vector_load %arg7[%get3A_669, %get3A_670] {strides = array<i32>} : memref<50x16xi32, #tpu.memory_space<vmem>>, vector<16xi32>,
        %add3A_672 = vector.broadcast %mul3A_119 : i32 to vector<16xi32>
        %add3A_673 = arith.addi %get3A_671, %add3A_672 : vector<16xi32>
        %gather3A_674 = arith.constant 0 : i32
        %gather3A_675 = arith.constant 0 : i32
        %gather3A_676 = tpu.memref_slice %arg5[%rem3A_79, %gather3A_674, %gather3A_675] : memref<2x64x512xf32, #tpu.memory_space<vmem>> -> memref<1x64x512xf32, #tpu.memory_space<vmem>>
        %gather3A_677 = tpu.memref_squeeze %gather3A_676 : memref<1x64x512xf32, #tpu.memory_space<vmem>> -> memref<64x512xf32, #tpu.memory_space<vmem>>
        %gather3A_678 = tpu.vector_load_idx %gather3A_677[%get3A_667, %add3A_673] : memref<64x512xf32, #tpu.memory_space<vmem>>[vector<16xi32>, vector<16xi32>], vector<16xf32>,
        %mul3A_679 = arith.constant 1.200000e+01 : f32
        %mul3A_680 = vector.broadcast %mul3A_679 : f32 to vector<16xf32>
        %mul3A_681 = arith.mulf %gather3A_678, %mul3A_680 : vector<16xf32>
        %sub3A_682 = arith.constant 6.000000e+00 : f32
        %sub3A_683 = vector.broadcast %sub3A_682 : f32 to vector<16xf32>
        %sub3A_684 = arith.subf %mul3A_681, %sub3A_683 : vector<16xf32>
        %swap3A_685 = arith.constant 2 : i32
        %swap3A_686 = arith.index_cast %swap3A_685 : i32 to index
        %swap3A_687 = arith.index_cast %scan3A_116 : i32 to index
        %swap3A_688 = arith.constant 80 : index
        %swap3A_689 = tpu.vector_load %arg8[%swap3A_686, %swap3A_687, %swap3A_688] {strides = array<i32>} : memref<3x4x128xf32, #tpu.memory_space<vmem>>, vector<16xf32>,
        tpu.vector_store %arg8[%swap3A_686, %swap3A_687, %swap3A_688], %sub3A_684 {strides = array<i32>} : memref<3x4x128xf32, #tpu.memory_space<vmem>>, vector<16xf32>,
        %get3A_690 = arith.constant 26 : i32
        %get3A_691 = arith.index_cast %get3A_690 : i32 to index
        %get3A_692 = arith.constant 0 : index
        %get3A_693 = tpu.vector_load %arg7[%get3A_691, %get3A_692] {strides = array<i32>} : memref<50x16xi32, #tpu.memory_space<vmem>>, vector<16xi32>,
        %get3A_694 = arith.constant 49 : i32
        %get3A_695 = arith.index_cast %get3A_694 : i32 to index
        %get3A_696 = arith.constant 0 : index
        %get3A_697 = tpu.vector_load %arg7[%get3A_695, %get3A_696] {strides = array<i32>} : memref<50x16xi32, #tpu.memory_space<vmem>>, vector<16xi32>,
        %add3A_698 = vector.broadcast %mul3A_119 : i32 to vector<16xi32>
        %add3A_699 = arith.addi %get3A_697, %add3A_698 : vector<16xi32>
        %gather3A_700 = arith.constant 0 : i32
        %gather3A_701 = arith.constant 0 : i32
        %gather3A_702 = tpu.memref_slice %arg5[%rem3A_79, %gather3A_700, %gather3A_701] : memref<2x64x512xf32, #tpu.memory_space<vmem>> -> memref<1x64x512xf32, #tpu.memory_space<vmem>>
        %gather3A_703 = tpu.memref_squeeze %gather3A_702 : memref<1x64x512xf32, #tpu.memory_space<vmem>> -> memref<64x512xf32, #tpu.memory_space<vmem>>
        %gather3A_704 = tpu.vector_load_idx %gather3A_703[%get3A_693, %add3A_699] : memref<64x512xf32, #tpu.memory_space<vmem>>[vector<16xi32>, vector<16xi32>], vector<16xf32>,
        %mul3A_705 = arith.constant 1.200000e+01 : f32
        %mul3A_706 = vector.broadcast %mul3A_705 : f32 to vector<16xf32>
        %mul3A_707 = arith.mulf %gather3A_704, %mul3A_706 : vector<16xf32>
        %sub3A_708 = arith.constant 6.000000e+00 : f32
        %sub3A_709 = vector.broadcast %sub3A_708 : f32 to vector<16xf32>
        %sub3A_710 = arith.subf %mul3A_707, %sub3A_709 : vector<16xf32>
        %swap3A_711 = arith.constant 2 : i32
        %swap3A_712 = arith.index_cast %swap3A_711 : i32 to index
        %swap3A_713 = arith.index_cast %scan3A_116 : i32 to index
        %swap3A_714 = arith.constant 96 : index
        %swap3A_715 = tpu.vector_load %arg8[%swap3A_712, %swap3A_713, %swap3A_714] {strides = array<i32>} : memref<3x4x128xf32, #tpu.memory_space<vmem>>, vector<16xf32>,
        tpu.vector_store %arg8[%swap3A_712, %swap3A_713, %swap3A_714], %sub3A_710 {strides = array<i32>} : memref<3x4x128xf32, #tpu.memory_space<vmem>>, vector<16xf32>,
        %scan3A_716 = arith.constant 0 : i32
        scf.yield %scan3A_716 : i32
      }
      %scan3A_105 = arith.constant 4 : i32
      %mul3A_106 = arith.constant 32 : i32
      %mul3A_107 = arith.muli %add3A, %mul3A_106 : i32
      %add3A_108 = arith.addi %mul3A_107, %scan3A_76 : i32
      %div3A_109 = arith.constant 2 : i32
      %div3A_110 = arith.divsi %add3A_108, %div3A_109 : i32
      %rem3A_111 = arith.constant 2 : i32
      %rem3A_112 = arith.remsi %add3A_108, %rem3A_111 : i32
      %mul3A_113 = arith.constant 4 : i32
      %mul3A_114 = arith.muli %rem3A_112, %mul3A_113 : i32
      "tpu.region"() ({
        %run_scoped3A = tpu.sem_alloc : memref<!tpu.dma_semaphore, #tpu.memory_space<semaphore_mem>>
        %dma_start3A_116 = arith.constant 0 : i32
        %dma_start3A_117 = arith.constant 0 : i32
        %dma_start3A_118 = tpu.memref_slice %arg4[%div3A_110, %dma_start3A_116, %mul3A_114, %dma_start3A_117] : memref<512x3x8x128xf32, #tpu.memory_space<hbm>> -> memref<1x3x4x128xf32, #tpu.memory_space<hbm>>
        %dma_start3A_119 = tpu.memref_squeeze %dma_start3A_118 : memref<1x3x4x128xf32, #tpu.memory_space<hbm>> -> memref<3x4x128xf32, #tpu.memory_space<hbm>>
        %dma_start3A_120 = arith.constant 0 : i32
        %dma_start3A_121 = arith.constant 0 : i32
        %dma_start3A_122 = tpu.memref_slice %arg4[%div3A_110, %dma_start3A_120, %mul3A_114, %dma_start3A_121] : memref<512x3x8x128xf32, #tpu.memory_space<hbm>> -> memref<1x3x4x128xf32, #tpu.memory_space<hbm>>
        %dma_start3A_123 = tpu.memref_squeeze %dma_start3A_122 : memref<1x3x4x128xf32, #tpu.memory_space<hbm>> -> memref<3x4x128xf32, #tpu.memory_space<hbm>>
        tpu.enqueue_dma source(%arg8 : memref<3x4x128xf32, #tpu.memory_space<vmem>>) target(%dma_start3A_123 : memref<3x4x128xf32, #tpu.memory_space<hbm>>) target_semaphore(%run_scoped3A : memref<!tpu.dma_semaphore, #tpu.memory_space<semaphore_mem>>)
        %dma_wait3A_124 = arith.constant 0 : i32
        %dma_wait3A_125 = arith.constant 0 : i32
        %dma_wait3A_126 = tpu.memref_slice %arg4[%div3A_110, %dma_wait3A_124, %mul3A_114, %dma_wait3A_125] : memref<512x3x8x128xf32, #tpu.memory_space<hbm>> -> memref<1x3x4x128xf32, #tpu.memory_space<hbm>>
        %dma_wait3A_127 = tpu.memref_squeeze %dma_wait3A_126 : memref<1x3x4x128xf32, #tpu.memory_space<hbm>> -> memref<3x4x128xf32, #tpu.memory_space<hbm>>
        %dma_wait3A_128 = arith.constant 0 : i32
        %dma_wait3A_129 = arith.constant 0 : i32
        %dma_wait3A_130 = tpu.memref_slice %arg4[%div3A_110, %dma_wait3A_128, %mul3A_114, %dma_wait3A_129] : memref<512x3x8x128xf32, #tpu.memory_space<hbm>> -> memref<1x3x4x128xf32, #tpu.memory_space<hbm>>
        %dma_wait3A_131 = tpu.memref_squeeze %dma_wait3A_130 : memref<1x3x4x128xf32, #tpu.memory_space<hbm>> -> memref<3x4x128xf32, #tpu.memory_space<hbm>>
        tpu.wait_dma2 semaphore(%run_scoped3A : memref<!tpu.dma_semaphore, #tpu.memory_space<semaphore_mem>>) src(%arg8 : memref<3x4x128xf32, #tpu.memory_space<vmem>>) dst(%dma_wait3A_131 : memref<3x4x128xf32, #tpu.memory_space<hbm>>)
        tpu.yield
      }) : () -> ()
      %scan3A_115 = arith.constant 0 : i32
      scf.yield %scan3A_115 : i32
    }
    %scan3A_75 = arith.constant 32 : i32
    return
  }
}

</mosaic_0001>

<sc_bundles>
// kernel: kernel.3.cloned.1.call-start
scs
__scs_entry_jumppad:
0x0: {  	(pc) =	sbr.rel $0x88, $3  }
0x1: {  	(tag) =	ssettag $0x0;
	lr =	simm.s32 $0x1  }
0x2: {  	[smem:$0x3FA0] =	sst lr;
	_ =	strace $0xD0000000  }
0x3: {  	_ = 	snop  }
0x4: {  	_ = 	snop  }
0x5: {  	_ = 	snop  }
0x6: {  	_ = 	snop  }
0x7: {  	_ = 	snop  }
__scs_overlays_trampoline_lowered:
0x8: {  	[smem:$0x3FAF] =	sst s0  }
0x9: {  	[smem:$0x3FB0] =	sst s1  }
0xa: {  	[smem:$0x3FB1] =	sst s2  }
0xb: {  	[smem:$0x3FB2] =	sst s3  }
0xc: {  	[smem:$0x3FB3] =	sst s4  }
0xd: {  	[smem:$0x3FB4] =	sst s5  }
0xe: {  	[smem:$0x3FB5] =	sst s6  }
0xf: {  	[smem:$0x3FB6] =	sst s7  }
0x10: {  	[smem:$0x3FB7] =	sst s8  }
0x11: {  	[smem:$0x3FB8] =	sst s9;
	s0 =	simm.s32 @!p0 $0x0  }
0x12: {  	s1 =	sld [smem:$0x3F9E];
	s0 =	simm.s32 @p0 $0x1  }
0x13: {  	[smem:$0x3FB9] =	sst s0;
	s0 =	simm.s32 @!p1 $0x0  }
0x14: {  	s2 =	sld [smem:$0x3F9D];
	s0 =	simm.s32 @p1 $0x1  }
0x15: {  	[smem:$0x3FBA] =	sst s0;
	s0 =	simm.s32 @!p2 $0x0  }
0x16: {  	s3 =	sld [smem:$0x3FDB];
	s0 =	simm.s32 @p2 $0x1  }
0x17: {  	s4 =	simm.s32 $0x1BF5;
	[smem:$0x3FBC] =	sst s0  }
0x18: {  	s0 =	sld [smem:$0x3F9F];
	_ =	swait.ge [sflag:s4], $0x0  }
0x19: {  	s7 =	sld [smem:$0x3FA0]  }
0x1a: {  	s8 =	sadd.s32 $0xFFFFE003, lr  }
0x1b: {  	s9 =	sadd.s32 $0xFFFFFEF7, lr;
	s5 =	simm.s32 $0xFFFFFFFF;
	p2 =	slt.u32 s8, $0xFFFFF086  }
0x1c: {  	p1 =	slt.u32 s9, $0xF7A;
	s5 =	simm.s32 @!p2 $0x0  }
0x1d: {  	s5 =	simm.s32 @p1 $0x1;
	p0 =	seq.s32 s7, s2  }
0x1e: {  	s7 =	smul.u32 @!p0 $0xF7A, s2;
	p2 =	seq.s32 @!p0 s5, $0x0  }
0x1f: {  	s9 =	smul.u32 $0xF7A, s1;
	s8 =	simm.s32 @!p0 $0x1BF5;
	p2 =	por !p2, p0  }
0x20: {  	[sflag:s8] =	ssyncset.s32 @!p0 $0xFFFFF086;
	s6 =	sadd.s32 @!p0 s3, s7;
	s7 =	simm.s32 @!p0 $0x108  }
0x21: {  	s3 =	sadd.s32 s3, s9;
	s6 =	sadd.s32 @!p0 $0x88, s6;
	s7 =	simm.s32 @p2 $0x1082  }
0x22: {  	[simem:s7], [sflag:s8] =	dma.local @!p0 [hbm:s6], $0xF7A  }
0x23: {  	s9 =	sor.u32 $0xD0000000, s2;
	s6 =	simm.s32 $0x108;
	_ =	swait.ge @!p0 [sflag:s8], $0x0  }
0x24: {  	s3 =	sadd.s32 $0x88, s3;
	s6 =	simm.s32 @!p1 $0x1082;
	[sflag:s4] =	ssyncset.s32 $0xFFFFF086  }
0x25: {  	[simem:s6], [sflag:s4] =	dma.local [hbm:s3], $0xF7A  }
0x26: {  	[smem:$0x3FA0] =	sst s1;
	(tag) =	ssettag s2;
	_ =	strace s9  }
0x27: {  	s1 =	sld [smem:$0x3FB0]  }
0x28: {  	s2 =	sld [smem:$0x3FB1]  }
0x29: {  	s4 =	sld [smem:$0x3FB3]  }
0x2a: {  	p0 =	seq.s32 s5, $0x0;
	s5 =	sld [smem:$0x3FB4]  }
0x2b: {  	s6 =	sld [smem:$0x3FB5]  }
0x2c: {  	s7 =	sld [smem:$0x3FB6]  }
0x2d: {  	s3 =	simm.s32 $0x108;
	s8 =	sld [smem:$0x3FB7]  }
0x2e: {  	s3 =	simm.s32 @!p0 $0x1082;
	s9 =	sld [smem:$0x3FB8]  }
0x2f: {  	lr =	sadd.s32 s0, s3;
	s0 =	sld [smem:$0x3FAF]  }
0x30: {  	s3 =	sld [smem:$0x3FB2]  }
0x31: {  	[smem:$0x3FBB] =	sst s10  }
0x32: {  	s10 =	sld [smem:$0x3FB9];
	_ =	sdelay $0x3  }
0x33: {  	p0 =	seq.s32 s10, $0x1;
	s10 =	sld [smem:$0x3FBB];
	_ =	sdelay $0x3  }
0x34: {  	[smem:$0x3FBB] =	sst s10  }
0x35: {  	s10 =	sld [smem:$0x3FBA];
	_ =	sdelay $0x3  }
0x36: {  	p1 =	seq.s32 s10, $0x1;
	s10 =	sld [smem:$0x3FBB];
	_ =	sdelay $0x3  }
0x37: {  	[smem:$0x3FBB] =	sst s10  }
0x38: {  	s10 =	sld [smem:$0x3FBC]  }
0x39: {  	_ = 	snop;
	(pc) =	sbr.ind lr, $3  }
0x3a: {  	_ = 	snop  }
0x3b: {  	_ = 	snop  }
0x3c: {  	p2 =	seq.s32 s10, $0x1;
	s10 =	sld [smem:$0x3FBB]  }
0x3d: {  	_ =	shalt  }
0x3e: {  	_ =	shalt  }
0x3f: {  	_ =	shalt  }
0x40: {  	_ =	shalt  }
0x41: {  	_ =	shalt  }
0x42: {  	_ =	shalt  }
0x43: {  	_ =	shalt  }
0x44: {  	_ =	shalt  }
0x45: {  	_ =	shalt  }
0x46: {  	_ =	shalt  }
0x47: {  	_ =	shalt  }
0x48: {  	_ =	shalt  }
0x49: {  	_ =	shalt  }
0x4a: {  	_ =	shalt  }
0x4b: {  	_ =	shalt  }
0x4c: {  	_ =	shalt  }
0x4d: {  	_ =	shalt  }
0x4e: {  	_ =	shalt  }
0x4f: {  	_ =	shalt  }
0x50: {  	_ =	shalt  }
0x51: {  	_ =	shalt  }
0x52: {  	_ =	shalt  }
0x53: {  	_ =	shalt  }
0x54: {  	_ =	shalt  }
0x55: {  	_ =	shalt  }
0x56: {  	_ =	shalt  }
0x57: {  	_ =	shalt  }
0x58: {  	_ =	shalt  }
0x59: {  	_ =	shalt  }
0x5a: {  	_ =	shalt  }
0x5b: {  	_ =	shalt  }
0x5c: {  	_ =	shalt  }
0x5d: {  	_ =	shalt  }
0x5e: {  	_ =	shalt  }
0x5f: {  	_ =	shalt  }
0x60: {  	_ =	shalt  }
0x61: {  	_ =	shalt  }
0x62: {  	_ =	shalt  }
0x63: {  	_ =	shalt  }
0x64: {  	_ =	shalt  }
0x65: {  	_ =	shalt  }
0x66: {  	_ =	shalt  }
0x67: {  	_ =	shalt  }
0x68: {  	_ =	shalt  }
0x69: {  	_ =	shalt  }
0x6a: {  	_ =	shalt  }
0x6b: {  	_ =	shalt  }
0x6c: {  	_ =	shalt  }
0x6d: {  	_ =	shalt  }
0x6e: {  	_ =	shalt  }
0x6f: {  	_ =	shalt  }
0x70: {  	_ =	shalt  }
0x71: {  	_ =	shalt  }
0x72: {  	_ =	shalt  }
0x73: {  	_ =	shalt  }
0x74: {  	_ =	shalt  }
0x75: {  	_ =	shalt  }
0x76: {  	_ =	shalt  }
0x77: {  	_ =	shalt  }
0x78: {  	_ =	shalt  }
0x79: {  	_ =	shalt  }
0x7a: {  	_ =	shalt  }
0x7b: {  	_ =	shalt  }
0x7c: {  	_ =	shalt  }
0x7d: {  	_ =	shalt  }
0x7e: {  	_ =	shalt  }
0x7f: {  	_ =	shalt  }
0x80: {  	_ =	shalt  }
0x81: {  	_ =	shalt  }
0x82: {  	_ =	shalt  }
0x83: {  	_ =	shalt  }
0x84: {  	_ =	shalt  }
0x85: {  	_ =	shalt  }
0x86: {  	_ =	shalt  }
0x87: {  	_ =	shalt  }
.Lfunc_end0:
.L_simem_size_0:
called_computation_lowered:
.L_overlay_start_0:
0x88: {  	s2 =	sld [smem:$0x3FD9]  }
0x89: {  	s3 =	sld [smem:$0x3FFE];
	_ =	sdelay $0x1  }
0x8a: {  	s1 =	srdreg.scid  }
0x8b: {  	s0 =	sand.u32 $0x1, s1  }
0x8c: {  	s17 =	sshll.u32 s0, $0xA;
	s2 =	sadd.s32 s3, s2  }
0x8d: {  	s2 =	sadd.s32 s2, s17  }
0x8e: {  	[smem:$0x3FC7] =	sst s2  }
0x8f: {  	_ = 	snop  }
0x90: {  	s2 =	sld [smem:$0x3FC9]  }
0x91: {  	s18 =	sld [smem:$0x3FD0];
	(tm) =	ssettm $0x1  }
0x92: {  	s4 =	sld [smem:$0x3FFB];
	_ =	sdelay $0x3  }
0x93: {  	_ =	strace s4  }
0x94: {  	s4 =	sld [smem:$0x3FFC];
	_ =	sdelay $0x3  }
0x95: {  	_ =	strace s4  }
0x96: {  	s4 =	sld [smem:$0x3FFD];
	_ =	sdelay $0x3  }
0x97: {  	_ =	strace s4  }
0x98: {  	_ =	strace $0x8FFFFFFF  }
0x99: {  	s19 =	sld [smem:$0x3FDB];
	_ =	sdelay $0x1  }
0x9a: {  	s5 =	simm.s32 $_scs_section_size  }
0x9b: {  	s6 =	simm.s32 $_size__tile_overlayer_lowered;
	s7 =	simm.s32 $_tile_overlayer_lowered  }
0x9c: {  	s22 =	simm.s32 $0x1BFF;
	s21 =	sshll.u32 s7, $0x1;
	s4 =	sadd.s32 s5, s19  }
0x9d: {  	s8 =	simm.s32 $0x0;
	s20 =	sshll.u32 s6, $0x1;
	s6 =	sadd.s32 s21, s4  }
0x9e: {  	[timem:s8], [sflag:s22] =	dma.local [hbm:s6], s20  }
0x9f: {  	_ =	swait.ge [sflag:s22], s20  }
0xa0: {  	s5 =	ssub.s32 $0x0, s20;
	[sflag:s22] =	ssyncset.done $0x0  }
0xa1: {  	[sflag:s22] =	ssyncadd.s32 s5;
	_ =	sdelay $0x1  }
0xa2: {  	s23 =	simm.s32 $0x1B8B  }
0xa3: {  	_ =	swait.ge [sflag:s23], $0x1  }
0xa4: {  	[sflag:s23] =	ssyncset.done $0x0  }
0xa5: {  	s25 =	simm.s32 $0x1B8E;
	s24 =	sld [smem:$0x3FFE];
	[sflag:s23] =	ssyncadd.s32 $0xFFFFFFFF  }
0xa6: {  	s26 =	simm.s32 $execute0_lowered;
	[smem:$0x3FD2] =	sst s25  }
0xa7: {  	s6 =	sshll.u32 s26, $0x1;
	_ =	strace $0x80000046;
	[dreg:$0x1] =	wrdreg $0xFFFFFFFF  }
0xa8: {  	s28 =	simm.s32 $_size_execute0_lowered;
	s4 =	sadd.s32 s4, s6;
	[dreg:$0x0] =	wrdreg $0x0  }
0xa9: {  	s6 =	sshll.u32 s28, $0x1;
	[dreg:$0x2] =	wrdreg s4  }
0xaa: {  	[dreg:$0x3] =	wrdreg s6  }
0xab: {  	[dreg:$0x4] =	wrdreg $0xC0  }
0xac: {  	_ =	task [dreg:s8], $0x5FFFF  }
0xad: {  	[dreg:$0x1] =	wrdreg $0xFFFFFFFF  }
0xae: {  	[dreg:$0x0] =	wrdreg $0x60  }
0xaf: {  	[dreg:$0x2] =	wrdreg s2  }
0xb0: {  	[dreg:$0x3] =	wrdreg s18  }
0xb1: {  	[dreg:$0x4] =	wrdreg s24  }
0xb2: {  	[dreg:$0x5] =	wrdreg $0x9  }
0xb3: {  	_ =	task.clear_ibuf [dreg:s8], $0x6FFFF;
	_ =	strace $0x90000046  }
0xb4: {  	s29 =	simm.s32 $0x9;
	_ =	strace $0x80000048  }
0xb5: {  	_ =	swait.ge [sflag:s29], $0x1  }
0xb6: {  	[sflag:s29] =	ssyncadd.s32 $0xFFFFFFFF  }
0xb7: {  	_ =	strace $0x90000048  }
0xb8: {  	_ =	sfence  }
0xb9: {  	s30 =	sld [smem:$0x0];
	_ =	sdelay $0x2  }
0xba: {  	s31 =	sshll.u32 s1, $0xD;
	s1 =	sshrl.u32 s1, $0x2  }
0xbb: {  	s3 =	sand.u32 $0x4000, s31;
	s1 =	sadd.s32 s1, s30  }
0xbc: {  	s0 =	sor.u32 s3, s0;
	s1 =	sshll.u32 s1, $0x11  }
0xbd: {  	s0 =	sor.u32 s1, s0  }
0xbe: {  	s0 =	sadd.s32 $0x8F2B, s0  }
0xbf: {  	[sflag:s0] =	ssyncadd.remote.s32 $0x1  }
0xc0: {  	_ =	sfence.sel $0xFFFF  }
0xc1: {  	[dreg:$0x0] =	wrdreg $0xFFFFFFFF;
	(pc) =	sbr.abs _section_cstart, $3  }
0xc2: {  	[dreg:$0x1] =	wrdreg $0xFFFFFFFF  }
0xc3: {  	_ =	task.clear_ibuf [dreg:s8], $0x2FFFF;
	_ =	strace $0x9FFFFFFF  }
0xc4: {  	(tm) =	ssettm $0x7FFFFFFF  }
0xc5: {  	_ =	shalt  }
tec
execute0_lowered:
.L_overlay_start_1:
0x0: {  	(tag) =	ssettag $0x1  }
0x1: {  	s1 =	rddreg [dreg:$0x0]  }
0x2: {  	s2 =	rddreg [dreg:$0x1]  }
0x3: {  	s6 =	rddreg [dreg:$0x2]  }
0x4: {  	s0 =	rddreg [dreg:$0x3];
	s4 =	simm.s32 $0x0;
	s5 =	srdreg.scid  }
0x5: {  	s3 =	stileid.u32;
	s10 =	simm.s32 $0x40;
	s11 =	simm.s32 $0x10000  }
0x6: {  	s12 =	simm.s32 $0x200;
	s14 =	simm.s32 $0x103A0;
	s15 =	simm.s32 $0x0  }
0x7: {  	[smem:$0x7FF] =	sst s4;
	s5 =	sand.u32 $0x1, s5;
	s8 =	sshll.u32 s3, $0x6  }
0x8: {  	s6 =	sadd.s32 $0x400, s6;
	s7 =	ssub.s32 $0x2, s5;
	s5 =	sshll.u32 s5, $0x5  }
0x9: {  	_ =	strace $0x80000047;
	s9 =	sshrl.u32 s7, $0x1;
	s5 =	sor.u32 s5, s8  }
0xa: {  	s8 =	simm.s32 $0x10080;
	s7 =	ssub.s32 s7, s9;
	s13 =	sshll.u32 s5, $0x7  }
0xb: {  	s9 =	simm.s32 $0x3;
	s7 =	smax.u32 s7, $0x1;
	v0 =	vmov s13;
	s13 =	simm.s32 $0x400  }
.LBB2_1:
0xc: {  	[tilespmem:s8], [sflag:$0x3] =	stream.linear.gather [hbm4b:s2+s4], $0x320, $0x38;
	[tilespmem:$0x109A0] =	vst v63  }
0xd: {  	_ =	swait.ge [sflag:s9], $0x320  }
0xe: {  	[sflag:s9] =	ssyncset.done $0x0  }
0xf: {  	[sflag:s9] =	ssyncadd.s32 $0xFFFFFCE0  }
0x10: {  	v1 =	vld [tilespmem:$0x10080]  }
0x11: {  	v2 =	vld [tilespmem:$0x10090]  }
0x12: {  	v3 =	vld [tilespmem:$0x100A0]  }
0x13: {  	v4 =	vld [tilespmem:$0x100B0];
	_ =	sdelay $0x1  }
0x14: {  	v1 =	vadd.s32 v0, v1  }
0x15: {  	[tilespmem:$0x10000] =	vst v1;
	v1 =	vadd.s32 v0, v2  }
0x16: {  	[tilespmem:$0x10010] =	vst v1;
	v1 =	vadd.s32 v0, v3  }
0x17: {  	[tilespmem:$0x10020] =	vst v1;
	v1 =	vadd.s32 v0, v4  }
0x18: {  	s17 =	simm.s32 $0x0;
	[tilespmem:$0x10030] =	vst v1  }
0x19: {  	[tilespmem:s4], [sflag:$0x1] =	stream.indirect.gather [hbm4b:s1+s10], $0x200, s11, s10, $0xb8;
	[tilespmem:$0x109A0] =	vst v63  }
.LBB2_2:
0x1a: {  	p0 =	seq.s32 s17, $0x1F  }
0x1b: {  	s16 =	sadd.s32 $0x1, s17;
	v1 =	vld @!p0 [tilespmem:$0x10080]  }
0x1c: {  	s18 =	sadd.s32 @!p0 s5, s16  }
0x1d: {  	s18 =	sshll.u32 @!p0 s18, $0x7  }
0x1e: {  	s19 =	sand.u32 $0x1, s17;
	s20 =	sand.u32 @!p0 $0x1, s16;
	s18 =	sand.u32 @!p0 $0x3FF00, s18  }
0x1f: {  	s21 =	sxor.u32 @!p0 $0x1, s19;
	s18 =	sor.u32 @!p0 s20, s18  }
0x20: {  	s20 =	sshll.u32 @!p0 s21, $0x6;
	v1 =	vadd.s32 @!p0 s18, v1  }
0x21: {  	[tilespmem:s20+$0x10000] =	vst @!p0 v1  }
0x22: {  	v1 =	vld @!p0 [tilespmem:$0x10090];
	_ =	sdelay $0x4  }
0x23: {  	v1 =	vadd.s32 @!p0 s18, v1  }
0x24: {  	[tilespmem:s20+$0x10010] =	vst @!p0 v1  }
0x25: {  	v1 =	vld @!p0 [tilespmem:$0x100A0];
	_ =	sdelay $0x4  }
0x26: {  	v1 =	vadd.s32 @!p0 s18, v1  }
0x27: {  	[tilespmem:s20+$0x10020] =	vst @!p0 v1  }
0x28: {  	v1 =	vld @!p0 [tilespmem:$0x100B0];
	_ =	sdelay $0x4  }
0x29: {  	s31 =	sadd.s32 $0x1, s19;
	s22 =	sor.u32 @!p0 $0x10000, s20;
	v1 =	vadd.s32 @!p0 s18, v1  }
0x2a: {  	s18 =	sshll.u32 @!p0 s21, $0xF;
	[tilespmem:s20+$0x10030] =	vst @!p0 v1;
	s20 =	sadd.s32 @!p0 $0x1, s21;
	s21 =	simm.s32 @!p0 $0x40  }
0x2b: {  	[tilespmem:s18], [sflag:s20] =	stream.indirect.gather @!p0 [hbm4b:s1+s21], $0x200, s22, s21, $0xb8;
	[tilespmem:$0x109A0] =	vst v63  }
0x2c: {  	_ =	swait.ge [sflag:s31], $0x8000  }
0x2d: {  	s18 =	sshll.u32 s19, $0xF;
	[sflag:s31] =	ssyncset.done $0x0  }
0x2e: {  	s19 =	simm.s32 $0x0;
	s20 =	simm.s32 $0x105D0;
	[sflag:s31] =	ssyncadd.s32 $0xFFFF8000  }
.LBB2_3:
0x2f: {  	v1 =	vld [tilespmem:$0x10230]  }
0x30: {  	v2 =	vld [tilespmem:$0x100C0];
	_ =	sdelay $0x3  }
0x31: {  	v3 =	vadd.s32 s19, v1  }
0x32: {  	v2 =	vshll.u32 v2, $0x9;
	v3 =	vand.u32 $0xFFFFFFF8, v3  }
0x33: {  	v1 =	vand.u32 $0x7, v1;
	v2 =	vadd.s32 v2, v3  }
0x34: {  	v1 =	vor.u32 v1, v2;
	_ =	sdelay $0x4  }
0x35: {  	v1 =	vld.idx.msk [tilespmem:v1+s18+$0x0], $0xffff;
	_ =	sdelay $0x4  }
0x36: {  	v1 =	vmul.f32 $1.200000000e+01, v1;
	_ =	sdelay $0x1  }
0x37: {  	v1 =	vadd.f32 $-6.000000000e+00, v1;
	_ =	sdelay $0x1  }
0x38: {  	[tilespmem:s20+$0xFFFFFDD0] =	vst v1  }
0x39: {  	v1 =	vld [tilespmem:$0x10240]  }
0x3a: {  	v2 =	vld [tilespmem:$0x100D0];
	_ =	sdelay $0x3  }
0x3b: {  	v3 =	vadd.s32 s19, v1  }
0x3c: {  	v2 =	vshll.u32 v2, $0x9;
	v3 =	vand.u32 $0xFFFFFFF8, v3  }
0x3d: {  	v1 =	vand.u32 $0x7, v1;
	v2 =	vadd.s32 v2, v3  }
0x3e: {  	v1 =	vor.u32 v1, v2;
	_ =	sdelay $0x4  }
0x3f: {  	v1 =	vld.idx.msk [tilespmem:v1+s18+$0x0], $0xffff;
	_ =	sdelay $0x4  }
0x40: {  	v1 =	vmul.f32 $1.200000000e+01, v1;
	_ =	sdelay $0x1  }
0x41: {  	v1 =	vadd.f32 $-6.000000000e+00, v1;
	_ =	sdelay $0x1  }
0x42: {  	[tilespmem:s20+$0xFFFFFDE0] =	vst v1  }
0x43: {  	v1 =	vld [tilespmem:$0x10250]  }
0x44: {  	v2 =	vld [tilespmem:$0x100E0];
	_ =	sdelay $0x3  }
0x45: {  	v3 =	vadd.s32 s19, v1  }
0x46: {  	v2 =	vshll.u32 v2, $0x9;
	v3 =	vand.u32 $0xFFFFFFF8, v3  }
0x47: {  	v1 =	vand.u32 $0x7, v1;
	v2 =	vadd.s32 v2, v3  }
0x48: {  	v1 =	vor.u32 v1, v2;
	_ =	sdelay $0x4  }
0x49: {  	v1 =	vld.idx.msk [tilespmem:v1+s18+$0x0], $0xffff;
	_ =	sdelay $0x4  }
0x4a: {  	v1 =	vmul.f32 $1.200000000e+01, v1;
	_ =	sdelay $0x1  }
0x4b: {  	v1 =	vadd.f32 $-6.000000000e+00, v1;
	_ =	sdelay $0x1  }
0x4c: {  	[tilespmem:s20+$0xFFFFFDF0] =	vst v1  }
0x4d: {  	v1 =	vld [tilespmem:$0x10260]  }
0x4e: {  	v2 =	vld [tilespmem:$0x100F0];
	_ =	sdelay $0x3  }
0x4f: {  	v3 =	vadd.s32 s19, v1  }
0x50: {  	v2 =	vshll.u32 v2, $0x9;
	v3 =	vand.u32 $0xFFFFFFF8, v3  }
0x51: {  	v1 =	vand.u32 $0x7, v1;
	v2 =	vadd.s32 v2, v3  }
0x52: {  	v1 =	vor.u32 v1, v2;
	_ =	sdelay $0x4  }
0x53: {  	v1 =	vld.idx.msk [tilespmem:v1+s18+$0x0], $0xffff;
	_ =	sdelay $0x4  }
0x54: {  	v1 =	vmul.f32 $1.200000000e+01, v1;
	_ =	sdelay $0x1  }
0x55: {  	v1 =	vadd.f32 $-6.000000000e+00, v1;
	_ =	sdelay $0x1  }
0x56: {  	[tilespmem:s20+$0xFFFFFE00] =	vst v1  }
0x57: {  	v1 =	vld [tilespmem:$0x10270]  }
0x58: {  	v2 =	vld [tilespmem:$0x10100];
	_ =	sdelay $0x3  }
0x59: {  	v3 =	vadd.s32 s19, v1  }
0x5a: {  	v2 =	vshll.u32 v2, $0x9;
	v3 =	vand.u32 $0xFFFFFFF8, v3  }
0x5b: {  	v1 =	vand.u32 $0x7, v1;
	v2 =	vadd.s32 v2, v3  }
0x5c: {  	v1 =	vor.u32 v1, v2;
	_ =	sdelay $0x4  }
0x5d: {  	v1 =	vld.idx.msk [tilespmem:v1+s18+$0x0], $0xffff;
	_ =	sdelay $0x4  }
0x5e: {  	v1 =	vmul.f32 $1.200000000e+01, v1;
	_ =	sdelay $0x1  }
0x5f: {  	v1 =	vadd.f32 $-6.000000000e+00, v1;
	_ =	sdelay $0x1  }
0x60: {  	[tilespmem:s20+$0xFFFFFE10] =	vst v1  }
0x61: {  	v1 =	vld [tilespmem:$0x10280]  }
0x62: {  	v2 =	vld [tilespmem:$0x10110];
	_ =	sdelay $0x3  }
0x63: {  	v3 =	vadd.s32 s19, v1  }
0x64: {  	v2 =	vshll.u32 v2, $0x9;
	v3 =	vand.u32 $0xFFFFFFF8, v3  }
0x65: {  	v1 =	vand.u32 $0x7, v1;
	v2 =	vadd.s32 v2, v3  }
0x66: {  	v1 =	vor.u32 v1, v2;
	_ =	sdelay $0x4  }
0x67: {  	v1 =	vld.idx.msk [tilespmem:v1+s18+$0x0], $0xffff;
	_ =	sdelay $0x4  }
0x68: {  	v1 =	vmul.f32 $1.200000000e+01, v1;
	_ =	sdelay $0x1  }
0x69: {  	v1 =	vadd.f32 $-6.000000000e+00, v1;
	_ =	sdelay $0x1  }
0x6a: {  	[tilespmem:s20+$0xFFFFFE20] =	vst v1  }
0x6b: {  	v1 =	vld [tilespmem:$0x10290]  }
0x6c: {  	v2 =	vld [tilespmem:$0x10120];
	_ =	sdelay $0x3  }
0x6d: {  	v3 =	vadd.s32 s19, v1  }
0x6e: {  	v2 =	vshll.u32 v2, $0x9;
	v3 =	vand.u32 $0xFFFFFFF8, v3  }
0x6f: {  	v1 =	vand.u32 $0x7, v1;
	v2 =	vadd.s32 v2, v3  }
0x70: {  	v1 =	vor.u32 v1, v2;
	_ =	sdelay $0x4  }
0x71: {  	v1 =	vld.idx.msk [tilespmem:v1+s18+$0x0], $0xffff;
	_ =	sdelay $0x4  }
0x72: {  	v1 =	vmul.f32 $1.200000000e+01, v1;
	_ =	sdelay $0x1  }
0x73: {  	v1 =	vadd.f32 $-6.000000000e+00, v1;
	_ =	sdelay $0x1  }
0x74: {  	[tilespmem:s20+$0xFFFFFE30] =	vst v1  }
0x75: {  	v1 =	vld [tilespmem:$0x102A0]  }
0x76: {  	v2 =	vld [tilespmem:$0x10130];
	_ =	sdelay $0x3  }
0x77: {  	v3 =	vadd.s32 s19, v1  }
0x78: {  	v2 =	vshll.u32 v2, $0x9;
	v3 =	vand.u32 $0xFFFFFFF8, v3  }
0x79: {  	v1 =	vand.u32 $0x7, v1;
	v2 =	vadd.s32 v2, v3  }
0x7a: {  	v1 =	vor.u32 v1, v2;
	_ =	sdelay $0x4  }
0x7b: {  	v1 =	vld.idx.msk [tilespmem:v1+s18+$0x0], $0xffff;
	_ =	sdelay $0x4  }
0x7c: {  	v1 =	vmul.f32 $1.200000000e+01, v1;
	_ =	sdelay $0x1  }
0x7d: {  	v1 =	vadd.f32 $-6.000000000e+00, v1;
	_ =	sdelay $0x1  }
0x7e: {  	[tilespmem:s20+$0xFFFFFE40] =	vst v1  }
0x7f: {  	v1 =	vld [tilespmem:$0x102B0]  }
0x80: {  	v2 =	vld [tilespmem:$0x10140];
	_ =	sdelay $0x3  }
0x81: {  	v3 =	vadd.s32 s19, v1  }
0x82: {  	v2 =	vshll.u32 v2, $0x9;
	v3 =	vand.u32 $0xFFFFFFF8, v3  }
0x83: {  	v1 =	vand.u32 $0x7, v1;
	v2 =	vadd.s32 v2, v3  }
0x84: {  	v1 =	vor.u32 v1, v2;
	_ =	sdelay $0x4  }
0x85: {  	v1 =	vld.idx.msk [tilespmem:v1+s18+$0x0], $0xffff;
	_ =	sdelay $0x4  }
0x86: {  	v1 =	vmul.f32 $1.200000000e+01, v1;
	_ =	sdelay $0x1  }
0x87: {  	v1 =	vadd.f32 $-6.000000000e+00, v1;
	_ =	sdelay $0x1  }
0x88: {  	[tilespmem:s20+$0xFFFFFFD0] =	vst v1  }
0x89: {  	v1 =	vld [tilespmem:$0x102C0]  }
0x8a: {  	v2 =	vld [tilespmem:$0x10150];
	_ =	sdelay $0x3  }
0x8b: {  	v3 =	vadd.s32 s19, v1  }
0x8c: {  	v2 =	vshll.u32 v2, $0x9;
	v3 =	vand.u32 $0xFFFFFFF8, v3  }
0x8d: {  	v1 =	vand.u32 $0x7, v1;
	v2 =	vadd.s32 v2, v3  }
0x8e: {  	v1 =	vor.u32 v1, v2;
	_ =	sdelay $0x4  }
0x8f: {  	v1 =	vld.idx.msk [tilespmem:v1+s18+$0x0], $0xffff;
	_ =	sdelay $0x4  }
0x90: {  	v1 =	vmul.f32 $1.200000000e+01, v1;
	_ =	sdelay $0x1  }
0x91: {  	v1 =	vadd.f32 $-6.000000000e+00, v1;
	_ =	sdelay $0x1  }
0x92: {  	[tilespmem:s20+$0xFFFFFFE0] =	vst v1  }
0x93: {  	v1 =	vld [tilespmem:$0x102D0]  }
0x94: {  	v2 =	vld [tilespmem:$0x10160];
	_ =	sdelay $0x3  }
0x95: {  	v3 =	vadd.s32 s19, v1  }
0x96: {  	v2 =	vshll.u32 v2, $0x9;
	v3 =	vand.u32 $0xFFFFFFF8, v3  }
0x97: {  	v1 =	vand.u32 $0x7, v1;
	v2 =	vadd.s32 v2, v3  }
0x98: {  	v1 =	vor.u32 v1, v2;
	_ =	sdelay $0x4  }
0x99: {  	v1 =	vld.idx.msk [tilespmem:v1+s18+$0x0], $0xffff;
	_ =	sdelay $0x4  }
0x9a: {  	v1 =	vmul.f32 $1.200000000e+01, v1;
	_ =	sdelay $0x1  }
0x9b: {  	v1 =	vadd.f32 $-6.000000000e+00, v1;
	_ =	sdelay $0x1  }
0x9c: {  	[tilespmem:s20+$0xFFFFFFF0] =	vst v1  }
0x9d: {  	v1 =	vld [tilespmem:$0x102E0]  }
0x9e: {  	v2 =	vld [tilespmem:$0x10170];
	_ =	sdelay $0x3  }
0x9f: {  	v3 =	vadd.s32 s19, v1  }
0xa0: {  	v2 =	vshll.u32 v2, $0x9;
	v3 =	vand.u32 $0xFFFFFFF8, v3  }
0xa1: {  	v1 =	vand.u32 $0x7, v1;
	v2 =	vadd.s32 v2, v3  }
0xa2: {  	v1 =	vor.u32 v1, v2;
	_ =	sdelay $0x4  }
0xa3: {  	v1 =	vld.idx.msk [tilespmem:v1+s18+$0x0], $0xffff;
	_ =	sdelay $0x4  }
0xa4: {  	v1 =	vmul.f32 $1.200000000e+01, v1;
	_ =	sdelay $0x1  }
0xa5: {  	v1 =	vadd.f32 $-6.000000000e+00, v1;
	_ =	sdelay $0x1  }
0xa6: {  	[tilespmem:s20+$0x0] =	vst v1  }
0xa7: {  	v1 =	vld [tilespmem:$0x102F0]  }
0xa8: {  	v2 =	vld [tilespmem:$0x10180];
	_ =	sdelay $0x3  }
0xa9: {  	v3 =	vadd.s32 s19, v1  }
0xaa: {  	v2 =	vshll.u32 v2, $0x9;
	v3 =	vand.u32 $0xFFFFFFF8, v3  }
0xab: {  	v1 =	vand.u32 $0x7, v1;
	v2 =	vadd.s32 v2, v3  }
0xac: {  	v1 =	vor.u32 v1, v2;
	_ =	sdelay $0x4  }
0xad: {  	v1 =	vld.idx.msk [tilespmem:v1+s18+$0x0], $0xffff;
	_ =	sdelay $0x4  }
0xae: {  	v1 =	vmul.f32 $1.200000000e+01, v1;
	_ =	sdelay $0x1  }
0xaf: {  	v1 =	vadd.f32 $-6.000000000e+00, v1;
	_ =	sdelay $0x1  }
0xb0: {  	[tilespmem:s20+$0x10] =	vst v1  }
0xb1: {  	v1 =	vld [tilespmem:$0x10300]  }
0xb2: {  	v2 =	vld [tilespmem:$0x10190];
	_ =	sdelay $0x3  }
0xb3: {  	v3 =	vadd.s32 s19, v1  }
0xb4: {  	v2 =	vshll.u32 v2, $0x9;
	v3 =	vand.u32 $0xFFFFFFF8, v3  }
0xb5: {  	v1 =	vand.u32 $0x7, v1;
	v2 =	vadd.s32 v2, v3  }
0xb6: {  	v1 =	vor.u32 v1, v2;
	_ =	sdelay $0x4  }
0xb7: {  	v1 =	vld.idx.msk [tilespmem:v1+s18+$0x0], $0xffff;
	_ =	sdelay $0x4  }
0xb8: {  	v1 =	vmul.f32 $1.200000000e+01, v1;
	_ =	sdelay $0x1  }
0xb9: {  	v1 =	vadd.f32 $-6.000000000e+00, v1;
	_ =	sdelay $0x1  }
0xba: {  	[tilespmem:s20+$0x20] =	vst v1  }
0xbb: {  	v1 =	vld [tilespmem:$0x10310]  }
0xbc: {  	v2 =	vld [tilespmem:$0x101A0];
	_ =	sdelay $0x3  }
0xbd: {  	v3 =	vadd.s32 s19, v1  }
0xbe: {  	v2 =	vshll.u32 v2, $0x9;
	v3 =	vand.u32 $0xFFFFFFF8, v3  }
0xbf: {  	v1 =	vand.u32 $0x7, v1;
	v2 =	vadd.s32 v2, v3  }
0xc0: {  	v1 =	vor.u32 v1, v2;
	_ =	sdelay $0x4  }
0xc1: {  	v1 =	vld.idx.msk [tilespmem:v1+s18+$0x0], $0xffff;
	_ =	sdelay $0x4  }
0xc2: {  	v1 =	vmul.f32 $1.200000000e+01, v1;
	_ =	sdelay $0x1  }
0xc3: {  	v1 =	vadd.f32 $-6.000000000e+00, v1;
	_ =	sdelay $0x1  }
0xc4: {  	[tilespmem:s20+$0x30] =	vst v1  }
0xc5: {  	v1 =	vld [tilespmem:$0x10320]  }
0xc6: {  	v2 =	vld [tilespmem:$0x101B0];
	_ =	sdelay $0x3  }
0xc7: {  	v3 =	vadd.s32 s19, v1  }
0xc8: {  	v2 =	vshll.u32 v2, $0x9;
	v3 =	vand.u32 $0xFFFFFFF8, v3  }
0xc9: {  	v1 =	vand.u32 $0x7, v1;
	v2 =	vadd.s32 v2, v3  }
0xca: {  	v1 =	vor.u32 v1, v2;
	_ =	sdelay $0x4  }
0xcb: {  	v1 =	vld.idx.msk [tilespmem:v1+s18+$0x0], $0xffff;
	_ =	sdelay $0x4  }
0xcc: {  	v1 =	vmul.f32 $1.200000000e+01, v1;
	_ =	sdelay $0x1  }
0xcd: {  	v1 =	vadd.f32 $-6.000000000e+00, v1;
	_ =	sdelay $0x1  }
0xce: {  	[tilespmem:s20+$0x40] =	vst v1  }
0xcf: {  	v1 =	vld [tilespmem:$0x10330]  }
0xd0: {  	v2 =	vld [tilespmem:$0x101C0];
	_ =	sdelay $0x3  }
0xd1: {  	v3 =	vadd.s32 s19, v1  }
0xd2: {  	v2 =	vshll.u32 v2, $0x9;
	v3 =	vand.u32 $0xFFFFFFF8, v3  }
0xd3: {  	v1 =	vand.u32 $0x7, v1;
	v2 =	vadd.s32 v2, v3  }
0xd4: {  	v1 =	vor.u32 v1, v2;
	_ =	sdelay $0x4  }
0xd5: {  	v1 =	vld.idx.msk [tilespmem:v1+s18+$0x0], $0xffff;
	_ =	sdelay $0x4  }
0xd6: {  	v1 =	vmul.f32 $1.200000000e+01, v1;
	_ =	sdelay $0x1  }
0xd7: {  	v1 =	vadd.f32 $-6.000000000e+00, v1;
	_ =	sdelay $0x1  }
0xd8: {  	[tilespmem:s20+$0x1D0] =	vst v1  }
0xd9: {  	v1 =	vld [tilespmem:$0x10340]  }
0xda: {  	v2 =	vld [tilespmem:$0x101D0];
	_ =	sdelay $0x3  }
0xdb: {  	v3 =	vadd.s32 s19, v1  }
0xdc: {  	v2 =	vshll.u32 v2, $0x9;
	v3 =	vand.u32 $0xFFFFFFF8, v3  }
0xdd: {  	v1 =	vand.u32 $0x7, v1;
	v2 =	vadd.s32 v2, v3  }
0xde: {  	v1 =	vor.u32 v1, v2;
	_ =	sdelay $0x4  }
0xdf: {  	v1 =	vld.idx.msk [tilespmem:v1+s18+$0x0], $0xffff;
	_ =	sdelay $0x4  }
0xe0: {  	v1 =	vmul.f32 $1.200000000e+01, v1;
	_ =	sdelay $0x1  }
0xe1: {  	v1 =	vadd.f32 $-6.000000000e+00, v1;
	_ =	sdelay $0x1  }
0xe2: {  	[tilespmem:s20+$0x1E0] =	vst v1  }
0xe3: {  	v1 =	vld [tilespmem:$0x10350]  }
0xe4: {  	v2 =	vld [tilespmem:$0x101E0];
	_ =	sdelay $0x3  }
0xe5: {  	v3 =	vadd.s32 s19, v1  }
0xe6: {  	v2 =	vshll.u32 v2, $0x9;
	v3 =	vand.u32 $0xFFFFFFF8, v3  }
0xe7: {  	v1 =	vand.u32 $0x7, v1;
	v2 =	vadd.s32 v2, v3  }
0xe8: {  	v1 =	vor.u32 v1, v2;
	_ =	sdelay $0x4  }
0xe9: {  	v1 =	vld.idx.msk [tilespmem:v1+s18+$0x0], $0xffff;
	_ =	sdelay $0x4  }
0xea: {  	v1 =	vmul.f32 $1.200000000e+01, v1;
	_ =	sdelay $0x1  }
0xeb: {  	v1 =	vadd.f32 $-6.000000000e+00, v1;
	_ =	sdelay $0x1  }
0xec: {  	[tilespmem:s20+$0x1F0] =	vst v1  }
0xed: {  	v1 =	vld [tilespmem:$0x10360]  }
0xee: {  	v2 =	vld [tilespmem:$0x101F0];
	_ =	sdelay $0x3  }
0xef: {  	v3 =	vadd.s32 s19, v1  }
0xf0: {  	v2 =	vshll.u32 v2, $0x9;
	v3 =	vand.u32 $0xFFFFFFF8, v3  }
0xf1: {  	v1 =	vand.u32 $0x7, v1;
	v2 =	vadd.s32 v2, v3  }
0xf2: {  	v1 =	vor.u32 v1, v2;
	_ =	sdelay $0x4  }
0xf3: {  	v1 =	vld.idx.msk [tilespmem:v1+s18+$0x0], $0xffff;
	_ =	sdelay $0x4  }
0xf4: {  	v1 =	vmul.f32 $1.200000000e+01, v1;
	_ =	sdelay $0x1  }
0xf5: {  	v1 =	vadd.f32 $-6.000000000e+00, v1;
	_ =	sdelay $0x1  }
0xf6: {  	[tilespmem:s20+$0x200] =	vst v1  }
0xf7: {  	v1 =	vld [tilespmem:$0x10370]  }
0xf8: {  	v2 =	vld [tilespmem:$0x10200];
	_ =	sdelay $0x3  }
0xf9: {  	v3 =	vadd.s32 s19, v1  }
0xfa: {  	v2 =	vshll.u32 v2, $0x9;
	v3 =	vand.u32 $0xFFFFFFF8, v3  }
0xfb: {  	v1 =	vand.u32 $0x7, v1;
	v2 =	vadd.s32 v2, v3  }
0xfc: {  	v1 =	vor.u32 v1, v2;
	_ =	sdelay $0x4  }
0xfd: {  	v1 =	vld.idx.msk [tilespmem:v1+s18+$0x0], $0xffff;
	_ =	sdelay $0x4  }
0xfe: {  	v1 =	vmul.f32 $1.200000000e+01, v1;
	_ =	sdelay $0x1  }
0xff: {  	v1 =	vadd.f32 $-6.000000000e+00, v1;
	_ =	sdelay $0x1  }
0x100: {  	[tilespmem:s20+$0x210] =	vst v1  }
0x101: {  	v1 =	vld [tilespmem:$0x10380]  }
0x102: {  	v2 =	vld [tilespmem:$0x10210];
	_ =	sdelay $0x3  }
0x103: {  	v3 =	vadd.s32 s19, v1  }
0x104: {  	v2 =	vshll.u32 v2, $0x9;
	v3 =	vand.u32 $0xFFFFFFF8, v3  }
0x105: {  	v1 =	vand.u32 $0x7, v1;
	v2 =	vadd.s32 v2, v3  }
0x106: {  	v1 =	vor.u32 v1, v2;
	_ =	sdelay $0x4  }
0x107: {  	v1 =	vld.idx.msk [tilespmem:v1+s18+$0x0], $0xffff;
	_ =	sdelay $0x4  }
0x108: {  	v1 =	vmul.f32 $1.200000000e+01, v1;
	_ =	sdelay $0x1  }
0x109: {  	v1 =	vadd.f32 $-6.000000000e+00, v1;
	_ =	sdelay $0x1  }
0x10a: {  	[tilespmem:s20+$0x220] =	vst v1  }
0x10b: {  	v1 =	vld [tilespmem:$0x10390]  }
0x10c: {  	v2 =	vld [tilespmem:$0x10220];
	_ =	sdelay $0x3  }
0x10d: {  	v3 =	vadd.s32 s19, v1  }
0x10e: {  	v2 =	vshll.u32 v2, $0x9;
	v3 =	vand.u32 $0xFFFFFFF8, v3  }
0x10f: {  	v1 =	vand.u32 $0x7, v1;
	v2 =	vadd.s32 v2, v3  }
0x110: {  	v1 =	vor.u32 v1, v2;
	_ =	sdelay $0x4  }
0x111: {  	v1 =	vld.idx.msk [tilespmem:v1+s18+$0x0], $0xffff;
	_ =	sdelay $0x3  }
0x112: {  	p0 =	sne.s32 s19, $0x180  }
.Ltmp0:
0x113: {  	v1 =	vmul.f32 $1.200000000e+01, v1;
	(pc) =	sbr.rel @p0 .LBB2_3-.Ltmp0, $3  }
0x114: {  	_ = 	snop  }
0x115: {  	v1 =	vadd.f32 $-6.000000000e+00, v1;
	_ =	sdelay $0x1  }
0x116: {  	s19 =	sadd.s32 $0x80, s19;
	[tilespmem:s20+$0x230] =	vst v1;
	s20 =	sadd.s32 $0x80, s20  }
0x117: {  	s18 =	sor.u32 s5, s17  }
0x118: {  	s18 =	sshrl.u32 s18, $0x1  }
0x119: {  	s31 =	sshll.u32 s17, $0x9;
	s18 =	smul.u32 $0xC00, s18  }
0x11a: {  	s17 =	sand.u32 $0x200, s31  }
0x11b: {  	s17 =	sor.u32 s17, s18  }
0x11c: {  	p0 =	sne.s32 s16, $0x20;
	s17 =	sshrl.u32 s17, $0x3  }
.Ltmp1:
0x11d: {  	s17 =	sadd.s32 s6, s17;
	(pc) =	sbr.rel @p0 .LBB2_2-.Ltmp1, $4  }
0x11e: {  	[hbm4b:s17+s12] =	stream.strided.scatter [tilespmem:s14], [sflag:$0x3], $0x600, s13, s12, $0x38;
	[tilespmem:$0x109A0] =	vst v63  }
0x11f: {  	_ =	swait.ge [sflag:s9], $0x600  }
0x120: {  	[sflag:s9] =	ssyncset.done $0x0  }
0x121: {  	s17 =	smov.u32 s16;
	[sflag:s9] =	ssyncadd.s32 $0xFFFFFA00  }
0x122: {  	s15 =	sadd.s32 $0x1, s15  }
0x123: {  	p0 =	sne.s32 s15, s7  }
.Ltmp2:
0x124: {  	_ = 	snop;
	(pc) =	sbr.rel @p0 .LBB2_1-.Ltmp2, $1  }
0x125: {  	_ =	sdelay $0x3  }
0x126: {  	_ =	sfence.sel $0x180000  }
0x127: {  	[bflag:$0x0] =	sbarrier.arrive $0xFFFF  }
0x128: {  	p0 =	sne.s32 s3, $0x0;
	_ =	strace $0x90000047  }
0x129: {  	s0 =	sadd.s32 @!p0 $0x100000, s0;
	[bflag:$0x2] =	sbarrier.arrive $0xFFFF  }
0x12a: {  	[sflag:s0] =	ssyncadd.tile.s32 @!p0 $0x1;
	_ =	shalt  }
.Lfunc_end2:
_tile_overlayer_lowered:
.L_overlay_start_2:
0x12b: {  	(tag) =	ssettag $0x2  }
0x12c: {  	s0 =	rddreg [dreg:$0x0];
	s2 =	stileid.u32  }
0x12d: {  	s1 =	rddreg [dreg:$0x1];
	p0 =	sne.s32 s2, $0x0  }
0x12e: {  	s3 =	rddreg [dreg:$0x2];
	[bflag:$0x3] =	sbarrier.arrive $0xFFFF;
	s2 =	simm.s32 @!p0 $0x1C03  }
0x12f: {  	[timem:s3], [sflag:s2] =	dma.local @!p0 [hbm:s0], s1  }
0x130: {  	s0 =	simm.s32 @!p0 $0x3  }
0x131: {  	_ =	swait.ge @!p0 [sflag:s0], s1  }
0x132: {  	s1 =	ssub.s32 @!p0 $0x0, s1;
	[sflag:s0] =	ssyncset.done @!p0 $0x0  }
0x133: {  	[sflag:s0] =	ssyncadd.s32 @!p0 s1  }
0x134: {  	[bflag:$0x3] =	sbarrier.arrive $0xFFFF  }
0x135: {  	_ =	shalt  }

</sc_bundles>
